<compile_context>
chip_gen: v7x
topology: tpu7x:2x2x1
jax: 0.10.2.dev20260603
libtpu: 0.0.44.dev20260713+nightly
codegen_flags: <defaults>
</compile_context>

<pallas_src>
import functools

import jax
import jax.numpy as jnp
from jax import lax
from jax.experimental import pallas as pl
from jax.experimental.pallas import tpu as pltpu
from jax.experimental.pallas import tpu_sc as plsc

POOL = 10000
BATCH = 1024
SEL = 5
PLEN = 8
DIM = 768
NROWS = BATCH * SEL
NW = 32
PER_W = NROWS // NW
CHUNK = 4
NCHUNKS = PER_W // CHUNK
RING = 5
STEPS = NCHUNKS // RING


@functools.partial(
    pl.kernel,
    mesh=plsc.VectorSubcoreMesh(core_axis_name="c", subcore_axis_name="s"),
    out_type=jax.ShapeDtypeStruct((NROWS, 3 * PLEN, DIM), jnp.float32),
    scratch_types=[
        pltpu.VMEM((NCHUNKS, CHUNK), jnp.int32),
        pltpu.VMEM((RING, CHUNK, PLEN, DIM), jnp.float32),
        pltpu.SemaphoreType.DMA,
        pltpu.SemaphoreType.DMA,
    ],
)
def _gather3(idx_hbm, a_hbm, b_hbm, c_hbm, out_hbm, idx_v, bufs, gsem, wsem):
    wid = lax.axis_index("s") * 2 + lax.axis_index("c")
    base = wid * PER_W
    pltpu.sync_copy(idx_hbm.at[wid], idx_v)

    def out_slice(jb, t):
        return out_hbm.at[
            pl.ds(base + jb * CHUNK, CHUNK), pl.ds(t * PLEN, PLEN), :
        ]

    for t, tab in enumerate((a_hbm, b_hbm, c_hbm)):
        def body(step, _, tab=tab, t=t):
            jb0 = step * RING

            gathers = []
            for b in range(RING):
                if t == 0:
                    @pl.when(step > 0)
                    def _():
                        pltpu.make_async_copy(
                            bufs.at[b], out_slice(0, t), wsem
                        ).wait()
                else:
                    pltpu.make_async_copy(bufs.at[b], out_slice(0, t), wsem).wait()

                gathers.append(
                    pltpu.async_copy(tab.at[idx_v.at[jb0 + b]], bufs.at[b], gsem)
                )
            for b in range(RING):
                gathers[b].wait()
                pltpu.async_copy(bufs.at[b], out_slice(jb0 + b, t), wsem)
            return ()

        lax.fori_loop(0, STEPS, body, ())

    for b in range(RING):
        pltpu.make_async_copy(bufs.at[b], out_slice(0, 0), wsem).wait()


def kernel(indices, part_A, part_B, part_C):
    idx = indices.reshape(NROWS).astype(jnp.int32).reshape(NW, NCHUNKS, CHUNK)
    out = _gather3(idx, part_A, part_B, part_C)
    return out.reshape(BATCH, SEL, 3 * PLEN, DIM)

# --- scband reference (transcript-rebuilt; emitter-appended) ---
"""Pipeline reference for scband-tri-partite-prompt-pool-79963701116971 (READ-ONLY COPY).

The authoritative reference and input builder live on the scoring server;
editing this copy changes nothing except your own understanding.
"""

import jax, jax.numpy as jnp
import numpy as np

POOL_SIZE = 10000
SELECTION_SIZE = 5
PROMPT_LEN = 8
DIM = 768
BATCH = 1024


def setup_inputs(seed: int = 0) -> dict:
    key = jax.random.key(seed)
    k_idx, k_a, k_b, k_c = jax.random.split(key, 4)
    indices = jax.random.randint(k_idx, (BATCH, SELECTION_SIZE), 0, POOL_SIZE, dtype=jnp.int64 if jax.config.jax_enable_x64 else jnp.int32)
    # Parameters: init like torch.nn.init.uniform_(-1, 1)
    part_A = jax.random.uniform(k_a, (POOL_SIZE, PROMPT_LEN, DIM), dtype=jnp.float32, minval=-1.0, maxval=1.0)
    part_B = jax.random.uniform(k_b, (POOL_SIZE, PROMPT_LEN, DIM), dtype=jnp.float32, minval=-1.0, maxval=1.0)
    part_C = jax.random.uniform(k_c, (POOL_SIZE, PROMPT_LEN, DIM), dtype=jnp.float32, minval=-1.0, maxval=1.0)
    return {"indices": indices, "part_A": part_A, "part_B": part_B, "part_C": part_C}


def reference(indices, part_A, part_B, part_C):
    # prompts_X = part_X[indices] -> [B, S, L, D]
    prompts_A = jnp.take(part_A, indices, axis=0)
    prompts_B = jnp.take(part_B, indices, axis=0)
    prompts_C = jnp.take(part_C, indices, axis=0)
    # torch.cat([...], dim=2) -> concat along prompt_len axis
    selected_prompts = jnp.concatenate([prompts_A, prompts_B, prompts_C], axis=2)
    return selected_prompts

if __name__ == "__main__":
    import jax
    _d = setup_inputs()
    print(jax.jit(kernel)(*tuple(_d.values())))

</pallas_src>

<mosaic_0001>
#map = affine_map<(d0, d1) -> (0, 0, 0)>
module attributes {stable_mosaic.version = 14 : i64} {
  func.func @_gather3(%arg0: i32, %arg1: i32, %arg2: memref<32x40x4xi32, #tpu.memory_space<hbm>>, %arg3: memref<10000x8x768xf32, #tpu.memory_space<hbm>>, %arg4: memref<10000x8x768xf32, #tpu.memory_space<hbm>>, %arg5: memref<10000x8x768xf32, #tpu.memory_space<hbm>>, %arg6: memref<5120x24x768xf32, #tpu.memory_space<hbm>>, %arg7: memref<40x4xi32, #tpu.memory_space<vmem>>, %arg8: memref<5x4x8x768xf32, #tpu.memory_space<vmem>>, %arg9: memref<!tpu.dma_semaphore, #tpu.memory_space<semaphore_mem>>, %arg10: memref<!tpu.dma_semaphore, #tpu.memory_space<semaphore_mem>>) attributes {dimension_semantics = [#tpu.dimension_semantics<core_parallel>, #tpu.dimension_semantics<subcore_parallel>], iteration_bounds = array<i64: 2, 16>, scalar_prefetch = 0 : i64, scratch_operands = 4 : i64, tpu.core_type = #tpu.core_type<sc_vector_subcore>, window_params = [{transform_indices = #map}, {transform_indices = #map}, {transform_indices = #map}, {transform_indices = #map}, {transform_indices = #map}]} {
    %mul3A = arith.constant 2 : i32
    %mul3A_0 = arith.muli %arg1, %mul3A : i32
    %add3A = arith.addi %mul3A_0, %arg0 : i32
    %mul3A_1 = arith.constant 160 : i32
    %mul3A_2 = arith.muli %add3A, %mul3A_1 : i32
    "tpu.region"() ({
      %run_scoped3A = tpu.sem_alloc : memref<!tpu.dma_semaphore, #tpu.memory_space<semaphore_mem>>
      %dma_start3A = arith.constant 0 : i32
      %dma_start3A_111 = arith.constant 0 : i32
      %dma_start3A_112 = tpu.memref_slice %arg2[%add3A, %dma_start3A, %dma_start3A_111] : memref<32x40x4xi32, #tpu.memory_space<hbm>> -> memref<1x40x4xi32, #tpu.memory_space<hbm>>
      %dma_start3A_113 = tpu.memref_squeeze %dma_start3A_112 : memref<1x40x4xi32, #tpu.memory_space<hbm>> -> memref<40x4xi32, #tpu.memory_space<hbm>>
      %dma_start3A_114 = arith.constant 0 : i32
      %dma_start3A_115 = arith.constant 0 : i32
      %dma_start3A_116 = tpu.memref_slice %arg2[%add3A, %dma_start3A_114, %dma_start3A_115] : memref<32x40x4xi32, #tpu.memory_space<hbm>> -> memref<1x40x4xi32, #tpu.memory_space<hbm>>
      %dma_start3A_117 = tpu.memref_squeeze %dma_start3A_116 : memref<1x40x4xi32, #tpu.memory_space<hbm>> -> memref<40x4xi32, #tpu.memory_space<hbm>>
      tpu.enqueue_dma source(%dma_start3A_117 : memref<40x4xi32, #tpu.memory_space<hbm>>) target(%arg7 : memref<40x4xi32, #tpu.memory_space<vmem>>) target_semaphore(%run_scoped3A : memref<!tpu.dma_semaphore, #tpu.memory_space<semaphore_mem>>)
      %dma_wait3A_118 = arith.constant 0 : i32
      %dma_wait3A_119 = arith.constant 0 : i32
      %dma_wait3A_120 = tpu.memref_slice %arg2[%add3A, %dma_wait3A_118, %dma_wait3A_119] : memref<32x40x4xi32, #tpu.memory_space<hbm>> -> memref<1x40x4xi32, #tpu.memory_space<hbm>>
      %dma_wait3A_121 = tpu.memref_squeeze %dma_wait3A_120 : memref<1x40x4xi32, #tpu.memory_space<hbm>> -> memref<40x4xi32, #tpu.memory_space<hbm>>
      %dma_wait3A_122 = arith.constant 0 : i32
      %dma_wait3A_123 = arith.constant 0 : i32
      %dma_wait3A_124 = tpu.memref_slice %arg2[%add3A, %dma_wait3A_122, %dma_wait3A_123] : memref<32x40x4xi32, #tpu.memory_space<hbm>> -> memref<1x40x4xi32, #tpu.memory_space<hbm>>
      %dma_wait3A_125 = tpu.memref_squeeze %dma_wait3A_124 : memref<1x40x4xi32, #tpu.memory_space<hbm>> -> memref<40x4xi32, #tpu.memory_space<hbm>>
      tpu.wait_dma2 semaphore(%run_scoped3A : memref<!tpu.dma_semaphore, #tpu.memory_space<semaphore_mem>>) src(%dma_wait3A_125 : memref<40x4xi32, #tpu.memory_space<hbm>>) dst(%arg7 : memref<40x4xi32, #tpu.memory_space<vmem>>)
      tpu.yield
    }) : () -> ()
    %scan3A = arith.constant 0 : i32
    %scan3A_3 = arith.constant 8 : i32
    %scan3A_4 = arith.addi %scan3A, %scan3A_3 : i32
    %scan3A_5 = arith.constant 1 : i32
    scf.for %scan3A_111 = %scan3A to %scan3A_4 step %scan3A_5  : i32 {
      %mul3A_112 = arith.constant 5 : i32
      %mul3A_113 = arith.muli %scan3A_111, %mul3A_112 : i32
      %gt3A = arith.constant 0 : i32
      %gt3A_114 = arith.cmpi sgt, %scan3A_111, %gt3A : i32
      %convert_element_type3A = arith.extui %gt3A_114 : i1 to i32
      %cond3A = arith.constant 0 : i32
      %cond3A_115 = arith.cmpi ne, %convert_element_type3A, %cond3A : i32
      scf.if %cond3A_115 {
        %add3A_385 = arith.constant 0 : i32
        %add3A_386 = arith.addi %mul3A_2, %add3A_385 : i32
        %dma_wait3A_387 = arith.constant 0 : i32
        %dma_wait3A_388 = arith.constant 0 : i32
        %dma_wait3A_389 = arith.constant 0 : i32
        %dma_wait3A_390 = arith.constant 0 : i32
        %dma_wait3A_391 = tpu.memref_slice %arg8[%dma_wait3A_387, %dma_wait3A_388, %dma_wait3A_389, %dma_wait3A_390] : memref<5x4x8x768xf32, #tpu.memory_space<vmem>> -> memref<1x4x8x768xf32, #tpu.memory_space<vmem>>
        %dma_wait3A_392 = tpu.memref_squeeze %dma_wait3A_391 : memref<1x4x8x768xf32, #tpu.memory_space<vmem>> -> memref<4x8x768xf32, #tpu.memory_space<vmem>>
        %dma_wait3A_393 = arith.constant 0 : i32
        %dma_wait3A_394 = arith.constant 0 : i32
        %dma_wait3A_395 = tpu.memref_slice %arg6[%add3A_386, %dma_wait3A_393, %dma_wait3A_394] : memref<5120x24x768xf32, #tpu.memory_space<hbm>> -> memref<4x8x768xf32, #tpu.memory_space<hbm>>
        %dma_wait3A_396 = arith.constant 0 : i32
        %dma_wait3A_397 = arith.constant 0 : i32
        %dma_wait3A_398 = tpu.memref_slice %arg6[%add3A_386, %dma_wait3A_396, %dma_wait3A_397] : memref<5120x24x768xf32, #tpu.memory_space<hbm>> -> memref<4x8x768xf32, #tpu.memory_space<hbm>>
        %dma_wait3A_399 = arith.constant 0 : i32
        %dma_wait3A_400 = arith.constant 0 : i32
        %dma_wait3A_401 = arith.constant 0 : i32
        %dma_wait3A_402 = tpu.memref_slice %arg8[%dma_wait3A_387, %dma_wait3A_399, %dma_wait3A_400, %dma_wait3A_401] : memref<5x4x8x768xf32, #tpu.memory_space<vmem>> -> memref<1x4x8x768xf32, #tpu.memory_space<vmem>>
        %dma_wait3A_403 = tpu.memref_squeeze %dma_wait3A_402 : memref<1x4x8x768xf32, #tpu.memory_space<vmem>> -> memref<4x8x768xf32, #tpu.memory_space<vmem>>
        tpu.wait_dma2 semaphore(%arg10 : memref<!tpu.dma_semaphore, #tpu.memory_space<semaphore_mem>>) src(%dma_wait3A_403 : memref<4x8x768xf32, #tpu.memory_space<vmem>>) dst(%dma_wait3A_398 : memref<4x8x768xf32, #tpu.memory_space<hbm>>)
      } else {
      }
      %add3A_116 = arith.constant 0 : i32
      %add3A_117 = arith.addi %mul3A_113, %add3A_116 : i32
      %dma_start3A = arith.constant 0 : i32
      %dma_start3A_118 = arith.constant 0 : i32
      %dma_start3A_119 = arith.constant 0 : i32
      %dma_start3A_120 = arith.constant 0 : i32
      %dma_start3A_121 = tpu.memref_slice %arg8[%dma_start3A, %dma_start3A_118, %dma_start3A_119, %dma_start3A_120] : memref<5x4x8x768xf32, #tpu.memory_space<vmem>> -> memref<1x4x8x768xf32, #tpu.memory_space<vmem>>
      %dma_start3A_122 = tpu.memref_squeeze %dma_start3A_121 : memref<1x4x8x768xf32, #tpu.memory_space<vmem>> -> memref<4x8x768xf32, #tpu.memory_space<vmem>>
      %dma_start3A_123 = arith.constant 0 : i32
      %dma_start3A_124 = tpu.memref_slice %arg7[%add3A_117, %dma_start3A_123] : memref<40x4xi32, #tpu.memory_space<vmem>> -> memref<1x4xi32, #tpu.memory_space<vmem>>
      %dma_start3A_125 = tpu.memref_squeeze %dma_start3A_124 : memref<1x4xi32, #tpu.memory_space<vmem>> -> memref<4xi32, #tpu.memory_space<vmem>>
      %dma_start3A_126 = arith.constant 0 : i32
      %dma_start3A_127 = arith.constant 0 : i32
      %dma_start3A_128 = arith.constant 0 : i32
      %dma_start3A_129 = tpu.memref_slice %arg3[%dma_start3A_126, %dma_start3A_127, %dma_start3A_128] : memref<10000x8x768xf32, #tpu.memory_space<hbm>> -> memref<10000x8x768xf32, #tpu.memory_space<hbm>>
      tpu.enqueue_indirect_dma source(%dma_start3A_129 : memref<10000x8x768xf32, #tpu.memory_space<hbm>>) target(%dma_start3A_122 : memref<4x8x768xf32, #tpu.memory_space<vmem>>) offsets(%dma_start3A_125 : memref<4xi32, #tpu.memory_space<vmem>>) semaphore(%arg9 : memref<!tpu.dma_semaphore, #tpu.memory_space<semaphore_mem>>)
      %gt3A_130 = arith.constant 0 : i32
      %gt3A_131 = arith.cmpi sgt, %scan3A_111, %gt3A_130 : i32
      %convert_element_type3A_132 = arith.extui %gt3A_131 : i1 to i32
      %cond3A_133 = arith.constant 0 : i32
      %cond3A_134 = arith.cmpi ne, %convert_element_type3A_132, %cond3A_133 : i32
      scf.if %cond3A_134 {
        %add3A_385 = arith.constant 0 : i32
        %add3A_386 = arith.addi %mul3A_2, %add3A_385 : i32
        %dma_wait3A_387 = arith.constant 1 : i32
        %dma_wait3A_388 = arith.constant 0 : i32
        %dma_wait3A_389 = arith.constant 0 : i32
        %dma_wait3A_390 = arith.constant 0 : i32
        %dma_wait3A_391 = tpu.memref_slice %arg8[%dma_wait3A_387, %dma_wait3A_388, %dma_wait3A_389, %dma_wait3A_390] : memref<5x4x8x768xf32, #tpu.memory_space<vmem>> -> memref<1x4x8x768xf32, #tpu.memory_space<vmem>>
        %dma_wait3A_392 = tpu.memref_squeeze %dma_wait3A_391 : memref<1x4x8x768xf32, #tpu.memory_space<vmem>> -> memref<4x8x768xf32, #tpu.memory_space<vmem>>
        %dma_wait3A_393 = arith.constant 0 : i32
        %dma_wait3A_394 = arith.constant 0 : i32
        %dma_wait3A_395 = tpu.memref_slice %arg6[%add3A_386, %dma_wait3A_393, %dma_wait3A_394] : memref<5120x24x768xf32, #tpu.memory_space<hbm>> -> memref<4x8x768xf32, #tpu.memory_space<hbm>>
        %dma_wait3A_396 = arith.constant 0 : i32
        %dma_wait3A_397 = arith.constant 0 : i32
        %dma_wait3A_398 = tpu.memref_slice %arg6[%add3A_386, %dma_wait3A_396, %dma_wait3A_397] : memref<5120x24x768xf32, #tpu.memory_space<hbm>> -> memref<4x8x768xf32, #tpu.memory_space<hbm>>
        %dma_wait3A_399 = arith.constant 0 : i32
        %dma_wait3A_400 = arith.constant 0 : i32
        %dma_wait3A_401 = arith.constant 0 : i32
        %dma_wait3A_402 = tpu.memref_slice %arg8[%dma_wait3A_387, %dma_wait3A_399, %dma_wait3A_400, %dma_wait3A_401] : memref<5x4x8x768xf32, #tpu.memory_space<vmem>> -> memref<1x4x8x768xf32, #tpu.memory_space<vmem>>
        %dma_wait3A_403 = tpu.memref_squeeze %dma_wait3A_402 : memref<1x4x8x768xf32, #tpu.memory_space<vmem>> -> memref<4x8x768xf32, #tpu.memory_space<vmem>>
        tpu.wait_dma2 semaphore(%arg10 : memref<!tpu.dma_semaphore, #tpu.memory_space<semaphore_mem>>) src(%dma_wait3A_403 : memref<4x8x768xf32, #tpu.memory_space<vmem>>) dst(%dma_wait3A_398 : memref<4x8x768xf32, #tpu.memory_space<hbm>>)
      } else {
      }
      %add3A_135 = arith.constant 1 : i32
      %add3A_136 = arith.addi %mul3A_113, %add3A_135 : i32
      %dma_start3A_137 = arith.constant 1 : i32
      %dma_start3A_138 = arith.constant 0 : i32
      %dma_start3A_139 = arith.constant 0 : i32
      %dma_start3A_140 = arith.constant 0 : i32
      %dma_start3A_141 = tpu.memref_slice %arg8[%dma_start3A_137, %dma_start3A_138, %dma_start3A_139, %dma_start3A_140] : memref<5x4x8x768xf32, #tpu.memory_space<vmem>> -> memref<1x4x8x768xf32, #tpu.memory_space<vmem>>
      %dma_start3A_142 = tpu.memref_squeeze %dma_start3A_141 : memref<1x4x8x768xf32, #tpu.memory_space<vmem>> -> memref<4x8x768xf32, #tpu.memory_space<vmem>>
      %dma_start3A_143 = arith.constant 0 : i32
      %dma_start3A_144 = tpu.memref_slice %arg7[%add3A_136, %dma_start3A_143] : memref<40x4xi32, #tpu.memory_space<vmem>> -> memref<1x4xi32, #tpu.memory_space<vmem>>
      %dma_start3A_145 = tpu.memref_squeeze %dma_start3A_144 : memref<1x4xi32, #tpu.memory_space<vmem>> -> memref<4xi32, #tpu.memory_space<vmem>>
      %dma_start3A_146 = arith.constant 0 : i32
      %dma_start3A_147 = arith.constant 0 : i32
      %dma_start3A_148 = arith.constant 0 : i32
      %dma_start3A_149 = tpu.memref_slice %arg3[%dma_start3A_146, %dma_start3A_147, %dma_start3A_148] : memref<10000x8x768xf32, #tpu.memory_space<hbm>> -> memref<10000x8x768xf32, #tpu.memory_space<hbm>>
      tpu.enqueue_indirect_dma source(%dma_start3A_149 : memref<10000x8x768xf32, #tpu.memory_space<hbm>>) target(%dma_start3A_142 : memref<4x8x768xf32, #tpu.memory_space<vmem>>) offsets(%dma_start3A_145 : memref<4xi32, #tpu.memory_space<vmem>>) semaphore(%arg9 : memref<!tpu.dma_semaphore, #tpu.memory_space<semaphore_mem>>)
      %gt3A_150 = arith.constant 0 : i32
      %gt3A_151 = arith.cmpi sgt, %scan3A_111, %gt3A_150 : i32
      %convert_element_type3A_152 = arith.extui %gt3A_151 : i1 to i32
      %cond3A_153 = arith.constant 0 : i32
      %cond3A_154 = arith.cmpi ne, %convert_element_type3A_152, %cond3A_153 : i32
      scf.if %cond3A_154 {
        %add3A_385 = arith.constant 0 : i32
        %add3A_386 = arith.addi %mul3A_2, %add3A_385 : i32
        %dma_wait3A_387 = arith.constant 2 : i32
        %dma_wait3A_388 = arith.constant 0 : i32
        %dma_wait3A_389 = arith.constant 0 : i32
        %dma_wait3A_390 = arith.constant 0 : i32
        %dma_wait3A_391 = tpu.memref_slice %arg8[%dma_wait3A_387, %dma_wait3A_388, %dma_wait3A_389, %dma_wait3A_390] : memref<5x4x8x768xf32, #tpu.memory_space<vmem>> -> memref<1x4x8x768xf32, #tpu.memory_space<vmem>>
        %dma_wait3A_392 = tpu.memref_squeeze %dma_wait3A_391 : memref<1x4x8x768xf32, #tpu.memory_space<vmem>> -> memref<4x8x768xf32, #tpu.memory_space<vmem>>
        %dma_wait3A_393 = arith.constant 0 : i32
        %dma_wait3A_394 = arith.constant 0 : i32
        %dma_wait3A_395 = tpu.memref_slice %arg6[%add3A_386, %dma_wait3A_393, %dma_wait3A_394] : memref<5120x24x768xf32, #tpu.memory_space<hbm>> -> memref<4x8x768xf32, #tpu.memory_space<hbm>>
        %dma_wait3A_396 = arith.constant 0 : i32
        %dma_wait3A_397 = arith.constant 0 : i32
        %dma_wait3A_398 = tpu.memref_slice %arg6[%add3A_386, %dma_wait3A_396, %dma_wait3A_397] : memref<5120x24x768xf32, #tpu.memory_space<hbm>> -> memref<4x8x768xf32, #tpu.memory_space<hbm>>
        %dma_wait3A_399 = arith.constant 0 : i32
        %dma_wait3A_400 = arith.constant 0 : i32
        %dma_wait3A_401 = arith.constant 0 : i32
        %dma_wait3A_402 = tpu.memref_slice %arg8[%dma_wait3A_387, %dma_wait3A_399, %dma_wait3A_400, %dma_wait3A_401] : memref<5x4x8x768xf32, #tpu.memory_space<vmem>> -> memref<1x4x8x768xf32, #tpu.memory_space<vmem>>
        %dma_wait3A_403 = tpu.memref_squeeze %dma_wait3A_402 : memref<1x4x8x768xf32, #tpu.memory_space<vmem>> -> memref<4x8x768xf32, #tpu.memory_space<vmem>>
        tpu.wait_dma2 semaphore(%arg10 : memref<!tpu.dma_semaphore, #tpu.memory_space<semaphore_mem>>) src(%dma_wait3A_403 : memref<4x8x768xf32, #tpu.memory_space<vmem>>) dst(%dma_wait3A_398 : memref<4x8x768xf32, #tpu.memory_space<hbm>>)
      } else {
      }
      %add3A_155 = arith.constant 2 : i32
      %add3A_156 = arith.addi %mul3A_113, %add3A_155 : i32
      %dma_start3A_157 = arith.constant 2 : i32
      %dma_start3A_158 = arith.constant 0 : i32
      %dma_start3A_159 = arith.constant 0 : i32
      %dma_start3A_160 = arith.constant 0 : i32
      %dma_start3A_161 = tpu.memref_slice %arg8[%dma_start3A_157, %dma_start3A_158, %dma_start3A_159, %dma_start3A_160] : memref<5x4x8x768xf32, #tpu.memory_space<vmem>> -> memref<1x4x8x768xf32, #tpu.memory_space<vmem>>
      %dma_start3A_162 = tpu.memref_squeeze %dma_start3A_161 : memref<1x4x8x768xf32, #tpu.memory_space<vmem>> -> memref<4x8x768xf32, #tpu.memory_space<vmem>>
      %dma_start3A_163 = arith.constant 0 : i32
      %dma_start3A_164 = tpu.memref_slice %arg7[%add3A_156, %dma_start3A_163] : memref<40x4xi32, #tpu.memory_space<vmem>> -> memref<1x4xi32, #tpu.memory_space<vmem>>
      %dma_start3A_165 = tpu.memref_squeeze %dma_start3A_164 : memref<1x4xi32, #tpu.memory_space<vmem>> -> memref<4xi32, #tpu.memory_space<vmem>>
      %dma_start3A_166 = arith.constant 0 : i32
      %dma_start3A_167 = arith.constant 0 : i32
      %dma_start3A_168 = arith.constant 0 : i32
      %dma_start3A_169 = tpu.memref_slice %arg3[%dma_start3A_166, %dma_start3A_167, %dma_start3A_168] : memref<10000x8x768xf32, #tpu.memory_space<hbm>> -> memref<10000x8x768xf32, #tpu.memory_space<hbm>>
      tpu.enqueue_indirect_dma source(%dma_start3A_169 : memref<10000x8x768xf32, #tpu.memory_space<hbm>>) target(%dma_start3A_162 : memref<4x8x768xf32, #tpu.memory_space<vmem>>) offsets(%dma_start3A_165 : memref<4xi32, #tpu.memory_space<vmem>>) semaphore(%arg9 : memref<!tpu.dma_semaphore, #tpu.memory_space<semaphore_mem>>)
      %gt3A_170 = arith.constant 0 : i32
      %gt3A_171 = arith.cmpi sgt, %scan3A_111, %gt3A_170 : i32
      %convert_element_type3A_172 = arith.extui %gt3A_171 : i1 to i32
      %cond3A_173 = arith.constant 0 : i32
      %cond3A_174 = arith.cmpi ne, %convert_element_type3A_172, %cond3A_173 : i32
      scf.if %cond3A_174 {
        %add3A_385 = arith.constant 0 : i32
        %add3A_386 = arith.addi %mul3A_2, %add3A_385 : i32
        %dma_wait3A_387 = arith.constant 3 : i32
        %dma_wait3A_388 = arith.constant 0 : i32
        %dma_wait3A_389 = arith.constant 0 : i32
        %dma_wait3A_390 = arith.constant 0 : i32
        %dma_wait3A_391 = tpu.memref_slice %arg8[%dma_wait3A_387, %dma_wait3A_388, %dma_wait3A_389, %dma_wait3A_390] : memref<5x4x8x768xf32, #tpu.memory_space<vmem>> -> memref<1x4x8x768xf32, #tpu.memory_space<vmem>>
        %dma_wait3A_392 = tpu.memref_squeeze %dma_wait3A_391 : memref<1x4x8x768xf32, #tpu.memory_space<vmem>> -> memref<4x8x768xf32, #tpu.memory_space<vmem>>
        %dma_wait3A_393 = arith.constant 0 : i32
        %dma_wait3A_394 = arith.constant 0 : i32
        %dma_wait3A_395 = tpu.memref_slice %arg6[%add3A_386, %dma_wait3A_393, %dma_wait3A_394] : memref<5120x24x768xf32, #tpu.memory_space<hbm>> -> memref<4x8x768xf32, #tpu.memory_space<hbm>>
        %dma_wait3A_396 = arith.constant 0 : i32
        %dma_wait3A_397 = arith.constant 0 : i32
        %dma_wait3A_398 = tpu.memref_slice %arg6[%add3A_386, %dma_wait3A_396, %dma_wait3A_397] : memref<5120x24x768xf32, #tpu.memory_space<hbm>> -> memref<4x8x768xf32, #tpu.memory_space<hbm>>
        %dma_wait3A_399 = arith.constant 0 : i32
        %dma_wait3A_400 = arith.constant 0 : i32
        %dma_wait3A_401 = arith.constant 0 : i32
        %dma_wait3A_402 = tpu.memref_slice %arg8[%dma_wait3A_387, %dma_wait3A_399, %dma_wait3A_400, %dma_wait3A_401] : memref<5x4x8x768xf32, #tpu.memory_space<vmem>> -> memref<1x4x8x768xf32, #tpu.memory_space<vmem>>
        %dma_wait3A_403 = tpu.memref_squeeze %dma_wait3A_402 : memref<1x4x8x768xf32, #tpu.memory_space<vmem>> -> memref<4x8x768xf32, #tpu.memory_space<vmem>>
        tpu.wait_dma2 semaphore(%arg10 : memref<!tpu.dma_semaphore, #tpu.memory_space<semaphore_mem>>) src(%dma_wait3A_403 : memref<4x8x768xf32, #tpu.memory_space<vmem>>) dst(%dma_wait3A_398 : memref<4x8x768xf32, #tpu.memory_space<hbm>>)
      } else {
      }
      %add3A_175 = arith.constant 3 : i32
      %add3A_176 = arith.addi %mul3A_113, %add3A_175 : i32
      %dma_start3A_177 = arith.constant 3 : i32
      %dma_start3A_178 = arith.constant 0 : i32
      %dma_start3A_179 = arith.constant 0 : i32
      %dma_start3A_180 = arith.constant 0 : i32
      %dma_start3A_181 = tpu.memref_slice %arg8[%dma_start3A_177, %dma_start3A_178, %dma_start3A_179, %dma_start3A_180] : memref<5x4x8x768xf32, #tpu.memory_space<vmem>> -> memref<1x4x8x768xf32, #tpu.memory_space<vmem>>
      %dma_start3A_182 = tpu.memref_squeeze %dma_start3A_181 : memref<1x4x8x768xf32, #tpu.memory_space<vmem>> -> memref<4x8x768xf32, #tpu.memory_space<vmem>>
      %dma_start3A_183 = arith.constant 0 : i32
      %dma_start3A_184 = tpu.memref_slice %arg7[%add3A_176, %dma_start3A_183] : memref<40x4xi32, #tpu.memory_space<vmem>> -> memref<1x4xi32, #tpu.memory_space<vmem>>
      %dma_start3A_185 = tpu.memref_squeeze %dma_start3A_184 : memref<1x4xi32, #tpu.memory_space<vmem>> -> memref<4xi32, #tpu.memory_space<vmem>>
      %dma_start3A_186 = arith.constant 0 : i32
      %dma_start3A_187 = arith.constant 0 : i32
      %dma_start3A_188 = arith.constant 0 : i32
      %dma_start3A_189 = tpu.memref_slice %arg3[%dma_start3A_186, %dma_start3A_187, %dma_start3A_188] : memref<10000x8x768xf32, #tpu.memory_space<hbm>> -> memref<10000x8x768xf32, #tpu.memory_space<hbm>>
      tpu.enqueue_indirect_dma source(%dma_start3A_189 : memref<10000x8x768xf32, #tpu.memory_space<hbm>>) target(%dma_start3A_182 : memref<4x8x768xf32, #tpu.memory_space<vmem>>) offsets(%dma_start3A_185 : memref<4xi32, #tpu.memory_space<vmem>>) semaphore(%arg9 : memref<!tpu.dma_semaphore, #tpu.memory_space<semaphore_mem>>)
      %gt3A_190 = arith.constant 0 : i32
      %gt3A_191 = arith.cmpi sgt, %scan3A_111, %gt3A_190 : i32
      %convert_element_type3A_192 = arith.extui %gt3A_191 : i1 to i32
      %cond3A_193 = arith.constant 0 : i32
      %cond3A_194 = arith.cmpi ne, %convert_element_type3A_192, %cond3A_193 : i32
      scf.if %cond3A_194 {
        %add3A_385 = arith.constant 0 : i32
        %add3A_386 = arith.addi %mul3A_2, %add3A_385 : i32
        %dma_wait3A_387 = arith.constant 4 : i32
        %dma_wait3A_388 = arith.constant 0 : i32
        %dma_wait3A_389 = arith.constant 0 : i32
        %dma_wait3A_390 = arith.constant 0 : i32
        %dma_wait3A_391 = tpu.memref_slice %arg8[%dma_wait3A_387, %dma_wait3A_388, %dma_wait3A_389, %dma_wait3A_390] : memref<5x4x8x768xf32, #tpu.memory_space<vmem>> -> memref<1x4x8x768xf32, #tpu.memory_space<vmem>>
        %dma_wait3A_392 = tpu.memref_squeeze %dma_wait3A_391 : memref<1x4x8x768xf32, #tpu.memory_space<vmem>> -> memref<4x8x768xf32, #tpu.memory_space<vmem>>
        %dma_wait3A_393 = arith.constant 0 : i32
        %dma_wait3A_394 = arith.constant 0 : i32
        %dma_wait3A_395 = tpu.memref_slice %arg6[%add3A_386, %dma_wait3A_393, %dma_wait3A_394] : memref<5120x24x768xf32, #tpu.memory_space<hbm>> -> memref<4x8x768xf32, #tpu.memory_space<hbm>>
        %dma_wait3A_396 = arith.constant 0 : i32
        %dma_wait3A_397 = arith.constant 0 : i32
        %dma_wait3A_398 = tpu.memref_slice %arg6[%add3A_386, %dma_wait3A_396, %dma_wait3A_397] : memref<5120x24x768xf32, #tpu.memory_space<hbm>> -> memref<4x8x768xf32, #tpu.memory_space<hbm>>
        %dma_wait3A_399 = arith.constant 0 : i32
        %dma_wait3A_400 = arith.constant 0 : i32
        %dma_wait3A_401 = arith.constant 0 : i32
        %dma_wait3A_402 = tpu.memref_slice %arg8[%dma_wait3A_387, %dma_wait3A_399, %dma_wait3A_400, %dma_wait3A_401] : memref<5x4x8x768xf32, #tpu.memory_space<vmem>> -> memref<1x4x8x768xf32, #tpu.memory_space<vmem>>
        %dma_wait3A_403 = tpu.memref_squeeze %dma_wait3A_402 : memref<1x4x8x768xf32, #tpu.memory_space<vmem>> -> memref<4x8x768xf32, #tpu.memory_space<vmem>>
        tpu.wait_dma2 semaphore(%arg10 : memref<!tpu.dma_semaphore, #tpu.memory_space<semaphore_mem>>) src(%dma_wait3A_403 : memref<4x8x768xf32, #tpu.memory_space<vmem>>) dst(%dma_wait3A_398 : memref<4x8x768xf32, #tpu.memory_space<hbm>>)
      } else {
      }
      %add3A_195 = arith.constant 4 : i32
      %add3A_196 = arith.addi %mul3A_113, %add3A_195 : i32
      %dma_start3A_197 = arith.constant 4 : i32
      %dma_start3A_198 = arith.constant 0 : i32
      %dma_start3A_199 = arith.constant 0 : i32
      %dma_start3A_200 = arith.constant 0 : i32
      %dma_start3A_201 = tpu.memref_slice %arg8[%dma_start3A_197, %dma_start3A_198, %dma_start3A_199, %dma_start3A_200] : memref<5x4x8x768xf32, #tpu.memory_space<vmem>> -> memref<1x4x8x768xf32, #tpu.memory_space<vmem>>
      %dma_start3A_202 = tpu.memref_squeeze %dma_start3A_201 : memref<1x4x8x768xf32, #tpu.memory_space<vmem>> -> memref<4x8x768xf32, #tpu.memory_space<vmem>>
      %dma_start3A_203 = arith.constant 0 : i32
      %dma_start3A_204 = tpu.memref_slice %arg7[%add3A_196, %dma_start3A_203] : memref<40x4xi32, #tpu.memory_space<vmem>> -> memref<1x4xi32, #tpu.memory_space<vmem>>
      %dma_start3A_205 = tpu.memref_squeeze %dma_start3A_204 : memref<1x4xi32, #tpu.memory_space<vmem>> -> memref<4xi32, #tpu.memory_space<vmem>>
      %dma_start3A_206 = arith.constant 0 : i32
      %dma_start3A_207 = arith.constant 0 : i32
      %dma_start3A_208 = arith.constant 0 : i32
      %dma_start3A_209 = tpu.memref_slice %arg3[%dma_start3A_206, %dma_start3A_207, %dma_start3A_208] : memref<10000x8x768xf32, #tpu.memory_space<hbm>> -> memref<10000x8x768xf32, #tpu.memory_space<hbm>>
      tpu.enqueue_indirect_dma source(%dma_start3A_209 : memref<10000x8x768xf32, #tpu.memory_space<hbm>>) target(%dma_start3A_202 : memref<4x8x768xf32, #tpu.memory_space<vmem>>) offsets(%dma_start3A_205 : memref<4xi32, #tpu.memory_space<vmem>>) semaphore(%arg9 : memref<!tpu.dma_semaphore, #tpu.memory_space<semaphore_mem>>)
      %dma_wait3A_210 = arith.constant 0 : i32
      %dma_wait3A_211 = arith.constant 0 : i32
      %dma_wait3A_212 = arith.constant 0 : i32
      %dma_wait3A_213 = arith.constant 0 : i32
      %dma_wait3A_214 = tpu.memref_slice %arg8[%dma_wait3A_210, %dma_wait3A_211, %dma_wait3A_212, %dma_wait3A_213] : memref<5x4x8x768xf32, #tpu.memory_space<vmem>> -> memref<1x4x8x768xf32, #tpu.memory_space<vmem>>
      %dma_wait3A_215 = tpu.memref_squeeze %dma_wait3A_214 : memref<1x4x8x768xf32, #tpu.memory_space<vmem>> -> memref<4x8x768xf32, #tpu.memory_space<vmem>>
      %dma_wait3A_216 = arith.constant 0 : i32
      %dma_wait3A_217 = tpu.memref_slice %arg7[%add3A_117, %dma_wait3A_216] : memref<40x4xi32, #tpu.memory_space<vmem>> -> memref<1x4xi32, #tpu.memory_space<vmem>>
      %dma_wait3A_218 = tpu.memref_squeeze %dma_wait3A_217 : memref<1x4xi32, #tpu.memory_space<vmem>> -> memref<4xi32, #tpu.memory_space<vmem>>
      %dma_wait3A_219 = arith.constant 0 : i32
      %dma_wait3A_220 = arith.constant 0 : i32
      %dma_wait3A_221 = arith.constant 0 : i32
      %dma_wait3A_222 = tpu.memref_slice %arg3[%dma_wait3A_219, %dma_wait3A_220, %dma_wait3A_221] : memref<10000x8x768xf32, #tpu.memory_space<hbm>> -> memref<10000x8x768xf32, #tpu.memory_space<hbm>>
      tpu.wait_indirect_dma semaphore(%arg9 : memref<!tpu.dma_semaphore, #tpu.memory_space<semaphore_mem>>) src(%dma_wait3A_222 : memref<10000x8x768xf32, #tpu.memory_space<hbm>>) dst(%dma_wait3A_215 : memref<4x8x768xf32, #tpu.memory_space<vmem>>)
      %add3A_223 = arith.constant 0 : i32
      %add3A_224 = arith.addi %mul3A_113, %add3A_223 : i32
      %mul3A_225 = arith.constant 4 : i32
      %mul3A_226 = arith.muli %add3A_224, %mul3A_225 : i32
      %add3A_227 = arith.addi %mul3A_2, %mul3A_226 : i32
      %dma_start3A_228 = arith.constant 0 : i32
      %dma_start3A_229 = arith.constant 0 : i32
      %dma_start3A_230 = arith.constant 0 : i32
      %dma_start3A_231 = arith.constant 0 : i32
      %dma_start3A_232 = tpu.memref_slice %arg8[%dma_start3A_228, %dma_start3A_229, %dma_start3A_230, %dma_start3A_231] : memref<5x4x8x768xf32, #tpu.memory_space<vmem>> -> memref<1x4x8x768xf32, #tpu.memory_space<vmem>>
      %dma_start3A_233 = tpu.memref_squeeze %dma_start3A_232 : memref<1x4x8x768xf32, #tpu.memory_space<vmem>> -> memref<4x8x768xf32, #tpu.memory_space<vmem>>
      %dma_start3A_234 = arith.constant 0 : i32
      %dma_start3A_235 = arith.constant 0 : i32
      %dma_start3A_236 = tpu.memref_slice %arg6[%add3A_227, %dma_start3A_234, %dma_start3A_235] : memref<5120x24x768xf32, #tpu.memory_space<hbm>> -> memref<4x8x768xf32, #tpu.memory_space<hbm>>
      %dma_start3A_237 = arith.constant 0 : i32
      %dma_start3A_238 = arith.constant 0 : i32
      %dma_start3A_239 = tpu.memref_slice %arg6[%add3A_227, %dma_start3A_237, %dma_start3A_238] : memref<5120x24x768xf32, #tpu.memory_space<hbm>> -> memref<4x8x768xf32, #tpu.memory_space<hbm>>
      %dma_start3A_240 = arith.constant 0 : i32
      %dma_start3A_241 = arith.constant 0 : i32
      %dma_start3A_242 = arith.constant 0 : i32
      %dma_start3A_243 = tpu.memref_slice %arg8[%dma_start3A_228, %dma_start3A_240, %dma_start3A_241, %dma_start3A_242] : memref<5x4x8x768xf32, #tpu.memory_space<vmem>> -> memref<1x4x8x768xf32, #tpu.memory_space<vmem>>
      %dma_start3A_244 = tpu.memref_squeeze %dma_start3A_243 : memref<1x4x8x768xf32, #tpu.memory_space<vmem>> -> memref<4x8x768xf32, #tpu.memory_space<vmem>>
      tpu.enqueue_dma source(%dma_start3A_244 : memref<4x8x768xf32, #tpu.memory_space<vmem>>) target(%dma_start3A_239 : memref<4x8x768xf32, #tpu.memory_space<hbm>>) target_semaphore(%arg10 : memref<!tpu.dma_semaphore, #tpu.memory_space<semaphore_mem>>)
      %dma_wait3A_245 = arith.constant 1 : i32
      %dma_wait3A_246 = arith.constant 0 : i32
      %dma_wait3A_247 = arith.constant 0 : i32
      %dma_wait3A_248 = arith.constant 0 : i32
      %dma_wait3A_249 = tpu.memref_slice %arg8[%dma_wait3A_245, %dma_wait3A_246, %dma_wait3A_247, %dma_wait3A_248] : memref<5x4x8x768xf32, #tpu.memory_space<vmem>> -> memref<1x4x8x768xf32, #tpu.memory_space<vmem>>
      %dma_wait3A_250 = tpu.memref_squeeze %dma_wait3A_249 : memref<1x4x8x768xf32, #tpu.memory_space<vmem>> -> memref<4x8x768xf32, #tpu.memory_space<vmem>>
      %dma_wait3A_251 = arith.constant 0 : i32
      %dma_wait3A_252 = tpu.memref_slice %arg7[%add3A_136, %dma_wait3A_251] : memref<40x4xi32, #tpu.memory_space<vmem>> -> memref<1x4xi32, #tpu.memory_space<vmem>>
      %dma_wait3A_253 = tpu.memref_squeeze %dma_wait3A_252 : memref<1x4xi32, #tpu.memory_space<vmem>> -> memref<4xi32, #tpu.memory_space<vmem>>
      %dma_wait3A_254 = arith.constant 0 : i32
      %dma_wait3A_255 = arith.constant 0 : i32
      %dma_wait3A_256 = arith.constant 0 : i32
      %dma_wait3A_257 = tpu.memref_slice %arg3[%dma_wait3A_254, %dma_wait3A_255, %dma_wait3A_256] : memref<10000x8x768xf32, #tpu.memory_space<hbm>> -> memref<10000x8x768xf32, #tpu.memory_space<hbm>>
      tpu.wait_indirect_dma semaphore(%arg9 : memref<!tpu.dma_semaphore, #tpu.memory_space<semaphore_mem>>) src(%dma_wait3A_257 : memref<10000x8x768xf32, #tpu.memory_space<hbm>>) dst(%dma_wait3A_250 : memref<4x8x768xf32, #tpu.memory_space<vmem>>)
      %add3A_258 = arith.constant 1 : i32
      %add3A_259 = arith.addi %mul3A_113, %add3A_258 : i32
      %mul3A_260 = arith.constant 4 : i32
      %mul3A_261 = arith.muli %add3A_259, %mul3A_260 : i32
      %add3A_262 = arith.addi %mul3A_2, %mul3A_261 : i32
      %dma_start3A_263 = arith.constant 1 : i32
      %dma_start3A_264 = arith.constant 0 : i32
      %dma_start3A_265 = arith.constant 0 : i32
      %dma_start3A_266 = arith.constant 0 : i32
      %dma_start3A_267 = tpu.memref_slice %arg8[%dma_start3A_263, %dma_start3A_264, %dma_start3A_265, %dma_start3A_266] : memref<5x4x8x768xf32, #tpu.memory_space<vmem>> -> memref<1x4x8x768xf32, #tpu.memory_space<vmem>>
      %dma_start3A_268 = tpu.memref_squeeze %dma_start3A_267 : memref<1x4x8x768xf32, #tpu.memory_space<vmem>> -> memref<4x8x768xf32, #tpu.memory_space<vmem>>
      %dma_start3A_269 = arith.constant 0 : i32
      %dma_start3A_270 = arith.constant 0 : i32
      %dma_start3A_271 = tpu.memref_slice %arg6[%add3A_262, %dma_start3A_269, %dma_start3A_270] : memref<5120x24x768xf32, #tpu.memory_space<hbm>> -> memref<4x8x768xf32, #tpu.memory_space<hbm>>
      %dma_start3A_272 = arith.constant 0 : i32
      %dma_start3A_273 = arith.constant 0 : i32
      %dma_start3A_274 = tpu.memref_slice %arg6[%add3A_262, %dma_start3A_272, %dma_start3A_273] : memref<5120x24x768xf32, #tpu.memory_space<hbm>> -> memref<4x8x768xf32, #tpu.memory_space<hbm>>
      %dma_start3A_275 = arith.constant 0 : i32
      %dma_start3A_276 = arith.constant 0 : i32
      %dma_start3A_277 = arith.constant 0 : i32
      %dma_start3A_278 = tpu.memref_slice %arg8[%dma_start3A_263, %dma_start3A_275, %dma_start3A_276, %dma_start3A_277] : memref<5x4x8x768xf32, #tpu.memory_space<vmem>> -> memref<1x4x8x768xf32, #tpu.memory_space<vmem>>
      %dma_start3A_279 = tpu.memref_squeeze %dma_start3A_278 : memref<1x4x8x768xf32, #tpu.memory_space<vmem>> -> memref<4x8x768xf32, #tpu.memory_space<vmem>>
      tpu.enqueue_dma source(%dma_start3A_279 : memref<4x8x768xf32, #tpu.memory_space<vmem>>) target(%dma_start3A_274 : memref<4x8x768xf32, #tpu.memory_space<hbm>>) target_semaphore(%arg10 : memref<!tpu.dma_semaphore, #tpu.memory_space<semaphore_mem>>)
      %dma_wait3A_280 = arith.constant 2 : i32
      %dma_wait3A_281 = arith.constant 0 : i32
      %dma_wait3A_282 = arith.constant 0 : i32
      %dma_wait3A_283 = arith.constant 0 : i32
      %dma_wait3A_284 = tpu.memref_slice %arg8[%dma_wait3A_280, %dma_wait3A_281, %dma_wait3A_282, %dma_wait3A_283] : memref<5x4x8x768xf32, #tpu.memory_space<vmem>> -> memref<1x4x8x768xf32, #tpu.memory_space<vmem>>
      %dma_wait3A_285 = tpu.memref_squeeze %dma_wait3A_284 : memref<1x4x8x768xf32, #tpu.memory_space<vmem>> -> memref<4x8x768xf32, #tpu.memory_space<vmem>>
      %dma_wait3A_286 = arith.constant 0 : i32
      %dma_wait3A_287 = tpu.memref_slice %arg7[%add3A_156, %dma_wait3A_286] : memref<40x4xi32, #tpu.memory_space<vmem>> -> memref<1x4xi32, #tpu.memory_space<vmem>>
      %dma_wait3A_288 = tpu.memref_squeeze %dma_wait3A_287 : memref<1x4xi32, #tpu.memory_space<vmem>> -> memref<4xi32, #tpu.memory_space<vmem>>
      %dma_wait3A_289 = arith.constant 0 : i32
      %dma_wait3A_290 = arith.constant 0 : i32
      %dma_wait3A_291 = arith.constant 0 : i32
      %dma_wait3A_292 = tpu.memref_slice %arg3[%dma_wait3A_289, %dma_wait3A_290, %dma_wait3A_291] : memref<10000x8x768xf32, #tpu.memory_space<hbm>> -> memref<10000x8x768xf32, #tpu.memory_space<hbm>>
      tpu.wait_indirect_dma semaphore(%arg9 : memref<!tpu.dma_semaphore, #tpu.memory_space<semaphore_mem>>) src(%dma_wait3A_292 : memref<10000x8x768xf32, #tpu.memory_space<hbm>>) dst(%dma_wait3A_285 : memref<4x8x768xf32, #tpu.memory_space<vmem>>)
      %add3A_293 = arith.constant 2 : i32
      %add3A_294 = arith.addi %mul3A_113, %add3A_293 : i32
      %mul3A_295 = arith.constant 4 : i32
      %mul3A_296 = arith.muli %add3A_294, %mul3A_295 : i32
      %add3A_297 = arith.addi %mul3A_2, %mul3A_296 : i32
      %dma_start3A_298 = arith.constant 2 : i32
      %dma_start3A_299 = arith.constant 0 : i32
      %dma_start3A_300 = arith.constant 0 : i32
      %dma_start3A_301 = arith.constant 0 : i32
      %dma_start3A_302 = tpu.memref_slice %arg8[%dma_start3A_298, %dma_start3A_299, %dma_start3A_300, %dma_start3A_301] : memref<5x4x8x768xf32, #tpu.memory_space<vmem>> -> memref<1x4x8x768xf32, #tpu.memory_space<vmem>>
      %dma_start3A_303 = tpu.memref_squeeze %dma_start3A_302 : memref<1x4x8x768xf32, #tpu.memory_space<vmem>> -> memref<4x8x768xf32, #tpu.memory_space<vmem>>
      %dma_start3A_304 = arith.constant 0 : i32
      %dma_start3A_305 = arith.constant 0 : i32
      %dma_start3A_306 = tpu.memref_slice %arg6[%add3A_297, %dma_start3A_304, %dma_start3A_305] : memref<5120x24x768xf32, #tpu.memory_space<hbm>> -> memref<4x8x768xf32, #tpu.memory_space<hbm>>
      %dma_start3A_307 = arith.constant 0 : i32
      %dma_start3A_308 = arith.constant 0 : i32
      %dma_start3A_309 = tpu.memref_slice %arg6[%add3A_297, %dma_start3A_307, %dma_start3A_308] : memref<5120x24x768xf32, #tpu.memory_space<hbm>> -> memref<4x8x768xf32, #tpu.memory_space<hbm>>
      %dma_start3A_310 = arith.constant 0 : i32
      %dma_start3A_311 = arith.constant 0 : i32
      %dma_start3A_312 = arith.constant 0 : i32
      %dma_start3A_313 = tpu.memref_slice %arg8[%dma_start3A_298, %dma_start3A_310, %dma_start3A_311, %dma_start3A_312] : memref<5x4x8x768xf32, #tpu.memory_space<vmem>> -> memref<1x4x8x768xf32, #tpu.memory_space<vmem>>
      %dma_start3A_314 = tpu.memref_squeeze %dma_start3A_313 : memref<1x4x8x768xf32, #tpu.memory_space<vmem>> -> memref<4x8x768xf32, #tpu.memory_space<vmem>>
      tpu.enqueue_dma source(%dma_start3A_314 : memref<4x8x768xf32, #tpu.memory_space<vmem>>) target(%dma_start3A_309 : memref<4x8x768xf32, #tpu.memory_space<hbm>>) target_semaphore(%arg10 : memref<!tpu.dma_semaphore, #tpu.memory_space<semaphore_mem>>)
      %dma_wait3A_315 = arith.constant 3 : i32
      %dma_wait3A_316 = arith.constant 0 : i32
      %dma_wait3A_317 = arith.constant 0 : i32
      %dma_wait3A_318 = arith.constant 0 : i32
      %dma_wait3A_319 = tpu.memref_slice %arg8[%dma_wait3A_315, %dma_wait3A_316, %dma_wait3A_317, %dma_wait3A_318] : memref<5x4x8x768xf32, #tpu.memory_space<vmem>> -> memref<1x4x8x768xf32, #tpu.memory_space<vmem>>
      %dma_wait3A_320 = tpu.memref_squeeze %dma_wait3A_319 : memref<1x4x8x768xf32, #tpu.memory_space<vmem>> -> memref<4x8x768xf32, #tpu.memory_space<vmem>>
      %dma_wait3A_321 = arith.constant 0 : i32
      %dma_wait3A_322 = tpu.memref_slice %arg7[%add3A_176, %dma_wait3A_321] : memref<40x4xi32, #tpu.memory_space<vmem>> -> memref<1x4xi32, #tpu.memory_space<vmem>>
      %dma_wait3A_323 = tpu.memref_squeeze %dma_wait3A_322 : memref<1x4xi32, #tpu.memory_space<vmem>> -> memref<4xi32, #tpu.memory_space<vmem>>
      %dma_wait3A_324 = arith.constant 0 : i32
      %dma_wait3A_325 = arith.constant 0 : i32
      %dma_wait3A_326 = arith.constant 0 : i32
      %dma_wait3A_327 = tpu.memref_slice %arg3[%dma_wait3A_324, %dma_wait3A_325, %dma_wait3A_326] : memref<10000x8x768xf32, #tpu.memory_space<hbm>> -> memref<10000x8x768xf32, #tpu.memory_space<hbm>>
      tpu.wait_indirect_dma semaphore(%arg9 : memref<!tpu.dma_semaphore, #tpu.memory_space<semaphore_mem>>) src(%dma_wait3A_327 : memref<10000x8x768xf32, #tpu.memory_space<hbm>>) dst(%dma_wait3A_320 : memref<4x8x768xf32, #tpu.memory_space<vmem>>)
      %add3A_328 = arith.constant 3 : i32
      %add3A_329 = arith.addi %mul3A_113, %add3A_328 : i32
      %mul3A_330 = arith.constant 4 : i32
      %mul3A_331 = arith.muli %add3A_329, %mul3A_330 : i32
      %add3A_332 = arith.addi %mul3A_2, %mul3A_331 : i32
      %dma_start3A_333 = arith.constant 3 : i32
      %dma_start3A_334 = arith.constant 0 : i32
      %dma_start3A_335 = arith.constant 0 : i32
      %dma_start3A_336 = arith.constant 0 : i32
      %dma_start3A_337 = tpu.memref_slice %arg8[%dma_start3A_333, %dma_start3A_334, %dma_start3A_335, %dma_start3A_336] : memref<5x4x8x768xf32, #tpu.memory_space<vmem>> -> memref<1x4x8x768xf32, #tpu.memory_space<vmem>>
      %dma_start3A_338 = tpu.memref_squeeze %dma_start3A_337 : memref<1x4x8x768xf32, #tpu.memory_space<vmem>> -> memref<4x8x768xf32, #tpu.memory_space<vmem>>
      %dma_start3A_339 = arith.constant 0 : i32
      %dma_start3A_340 = arith.constant 0 : i32
      %dma_start3A_341 = tpu.memref_slice %arg6[%add3A_332, %dma_start3A_339, %dma_start3A_340] : memref<5120x24x768xf32, #tpu.memory_space<hbm>> -> memref<4x8x768xf32, #tpu.memory_space<hbm>>
      %dma_start3A_342 = arith.constant 0 : i32
      %dma_start3A_343 = arith.constant 0 : i32
      %dma_start3A_344 = tpu.memref_slice %arg6[%add3A_332, %dma_start3A_342, %dma_start3A_343] : memref<5120x24x768xf32, #tpu.memory_space<hbm>> -> memref<4x8x768xf32, #tpu.memory_space<hbm>>
      %dma_start3A_345 = arith.constant 0 : i32
      %dma_start3A_346 = arith.constant 0 : i32
      %dma_start3A_347 = arith.constant 0 : i32
      %dma_start3A_348 = tpu.memref_slice %arg8[%dma_start3A_333, %dma_start3A_345, %dma_start3A_346, %dma_start3A_347] : memref<5x4x8x768xf32, #tpu.memory_space<vmem>> -> memref<1x4x8x768xf32, #tpu.memory_space<vmem>>
      %dma_start3A_349 = tpu.memref_squeeze %dma_start3A_348 : memref<1x4x8x768xf32, #tpu.memory_space<vmem>> -> memref<4x8x768xf32, #tpu.memory_space<vmem>>
      tpu.enqueue_dma source(%dma_start3A_349 : memref<4x8x768xf32, #tpu.memory_space<vmem>>) target(%dma_start3A_344 : memref<4x8x768xf32, #tpu.memory_space<hbm>>) target_semaphore(%arg10 : memref<!tpu.dma_semaphore, #tpu.memory_space<semaphore_mem>>)
      %dma_wait3A_350 = arith.constant 4 : i32
      %dma_wait3A_351 = arith.constant 0 : i32
      %dma_wait3A_352 = arith.constant 0 : i32
      %dma_wait3A_353 = arith.constant 0 : i32
      %dma_wait3A_354 = tpu.memref_slice %arg8[%dma_wait3A_350, %dma_wait3A_351, %dma_wait3A_352, %dma_wait3A_353] : memref<5x4x8x768xf32, #tpu.memory_space<vmem>> -> memref<1x4x8x768xf32, #tpu.memory_space<vmem>>
      %dma_wait3A_355 = tpu.memref_squeeze %dma_wait3A_354 : memref<1x4x8x768xf32, #tpu.memory_space<vmem>> -> memref<4x8x768xf32, #tpu.memory_space<vmem>>
      %dma_wait3A_356 = arith.constant 0 : i32
      %dma_wait3A_357 = tpu.memref_slice %arg7[%add3A_196, %dma_wait3A_356] : memref<40x4xi32, #tpu.memory_space<vmem>> -> memref<1x4xi32, #tpu.memory_space<vmem>>
      %dma_wait3A_358 = tpu.memref_squeeze %dma_wait3A_357 : memref<1x4xi32, #tpu.memory_space<vmem>> -> memref<4xi32, #tpu.memory_space<vmem>>
      %dma_wait3A_359 = arith.constant 0 : i32
      %dma_wait3A_360 = arith.constant 0 : i32
      %dma_wait3A_361 = arith.constant 0 : i32
      %dma_wait3A_362 = tpu.memref_slice %arg3[%dma_wait3A_359, %dma_wait3A_360, %dma_wait3A_361] : memref<10000x8x768xf32, #tpu.memory_space<hbm>> -> memref<10000x8x768xf32, #tpu.memory_space<hbm>>
      tpu.wait_indirect_dma semaphore(%arg9 : memref<!tpu.dma_semaphore, #tpu.memory_space<semaphore_mem>>) src(%dma_wait3A_362 : memref<10000x8x768xf32, #tpu.memory_space<hbm>>) dst(%dma_wait3A_355 : memref<4x8x768xf32, #tpu.memory_space<vmem>>)
      %add3A_363 = arith.constant 4 : i32
      %add3A_364 = arith.addi %mul3A_113, %add3A_363 : i32
      %mul3A_365 = arith.constant 4 : i32
      %mul3A_366 = arith.muli %add3A_364, %mul3A_365 : i32
      %add3A_367 = arith.addi %mul3A_2, %mul3A_366 : i32
      %dma_start3A_368 = arith.constant 4 : i32
      %dma_start3A_369 = arith.constant 0 : i32
      %dma_start3A_370 = arith.constant 0 : i32
      %dma_start3A_371 = arith.constant 0 : i32
      %dma_start3A_372 = tpu.memref_slice %arg8[%dma_start3A_368, %dma_start3A_369, %dma_start3A_370, %dma_start3A_371] : memref<5x4x8x768xf32, #tpu.memory_space<vmem>> -> memref<1x4x8x768xf32, #tpu.memory_space<vmem>>
      %dma_start3A_373 = tpu.memref_squeeze %dma_start3A_372 : memref<1x4x8x768xf32, #tpu.memory_space<vmem>> -> memref<4x8x768xf32, #tpu.memory_space<vmem>>
      %dma_start3A_374 = arith.constant 0 : i32
      %dma_start3A_375 = arith.constant 0 : i32
      %dma_start3A_376 = tpu.memref_slice %arg6[%add3A_367, %dma_start3A_374, %dma_start3A_375] : memref<5120x24x768xf32, #tpu.memory_space<hbm>> -> memref<4x8x768xf32, #tpu.memory_space<hbm>>
      %dma_start3A_377 = arith.constant 0 : i32
      %dma_start3A_378 = arith.constant 0 : i32
      %dma_start3A_379 = tpu.memref_slice %arg6[%add3A_367, %dma_start3A_377, %dma_start3A_378] : memref<5120x24x768xf32, #tpu.memory_space<hbm>> -> memref<4x8x768xf32, #tpu.memory_space<hbm>>
      %dma_start3A_380 = arith.constant 0 : i32
      %dma_start3A_381 = arith.constant 0 : i32
      %dma_start3A_382 = arith.constant 0 : i32
      %dma_start3A_383 = tpu.memref_slice %arg8[%dma_start3A_368, %dma_start3A_380, %dma_start3A_381, %dma_start3A_382] : memref<5x4x8x768xf32, #tpu.memory_space<vmem>> -> memref<1x4x8x768xf32, #tpu.memory_space<vmem>>
      %dma_start3A_384 = tpu.memref_squeeze %dma_start3A_383 : memref<1x4x8x768xf32, #tpu.memory_space<vmem>> -> memref<4x8x768xf32, #tpu.memory_space<vmem>>
      tpu.enqueue_dma source(%dma_start3A_384 : memref<4x8x768xf32, #tpu.memory_space<vmem>>) target(%dma_start3A_379 : memref<4x8x768xf32, #tpu.memory_space<hbm>>) target_semaphore(%arg10 : memref<!tpu.dma_semaphore, #tpu.memory_space<semaphore_mem>>)
    }
    %scan3A_6 = arith.constant 8 : i32
    %scan3A_7 = arith.constant 0 : i32
    %scan3A_8 = arith.constant 8 : i32
    %scan3A_9 = arith.addi %scan3A_7, %scan3A_8 : i32
    %scan3A_10 = arith.constant 1 : i32
    scf.for %scan3A_111 = %scan3A_7 to %scan3A_9 step %scan3A_10  : i32 {
      %mul3A_112 = arith.constant 5 : i32
      %mul3A_113 = arith.muli %scan3A_111, %mul3A_112 : i32
      %add3A_114 = arith.constant 0 : i32
      %add3A_115 = arith.addi %mul3A_2, %add3A_114 : i32
      %dma_wait3A_116 = arith.constant 0 : i32
      %dma_wait3A_117 = arith.constant 0 : i32
      %dma_wait3A_118 = arith.constant 0 : i32
      %dma_wait3A_119 = arith.constant 0 : i32
      %dma_wait3A_120 = tpu.memref_slice %arg8[%dma_wait3A_116, %dma_wait3A_117, %dma_wait3A_118, %dma_wait3A_119] : memref<5x4x8x768xf32, #tpu.memory_space<vmem>> -> memref<1x4x8x768xf32, #tpu.memory_space<vmem>>
      %dma_wait3A_121 = tpu.memref_squeeze %dma_wait3A_120 : memref<1x4x8x768xf32, #tpu.memory_space<vmem>> -> memref<4x8x768xf32, #tpu.memory_space<vmem>>
      %dma_wait3A_122 = arith.constant 8 : i32
      %dma_wait3A_123 = arith.constant 0 : i32
      %dma_wait3A_124 = tpu.memref_slice %arg6[%add3A_115, %dma_wait3A_122, %dma_wait3A_123] : memref<5120x24x768xf32, #tpu.memory_space<hbm>> -> memref<4x8x768xf32, #tpu.memory_space<hbm>>
      %dma_wait3A_125 = arith.constant 8 : i32
      %dma_wait3A_126 = arith.constant 0 : i32
      %dma_wait3A_127 = tpu.memref_slice %arg6[%add3A_115, %dma_wait3A_125, %dma_wait3A_126] : memref<5120x24x768xf32, #tpu.memory_space<hbm>> -> memref<4x8x768xf32, #tpu.memory_space<hbm>>
      %dma_wait3A_128 = arith.constant 0 : i32
      %dma_wait3A_129 = arith.constant 0 : i32
      %dma_wait3A_130 = arith.constant 0 : i32
      %dma_wait3A_131 = tpu.memref_slice %arg8[%dma_wait3A_116, %dma_wait3A_128, %dma_wait3A_129, %dma_wait3A_130] : memref<5x4x8x768xf32, #tpu.memory_space<vmem>> -> memref<1x4x8x768xf32, #tpu.memory_space<vmem>>
      %dma_wait3A_132 = tpu.memref_squeeze %dma_wait3A_131 : memref<1x4x8x768xf32, #tpu.memory_space<vmem>> -> memref<4x8x768xf32, #tpu.memory_space<vmem>>
      tpu.wait_dma2 semaphore(%arg10 : memref<!tpu.dma_semaphore, #tpu.memory_space<semaphore_mem>>) src(%dma_wait3A_132 : memref<4x8x768xf32, #tpu.memory_space<vmem>>) dst(%dma_wait3A_127 : memref<4x8x768xf32, #tpu.memory_space<hbm>>)
      %add3A_133 = arith.constant 0 : i32
      %add3A_134 = arith.addi %mul3A_113, %add3A_133 : i32
      %dma_start3A = arith.constant 0 : i32
      %dma_start3A_135 = arith.constant 0 : i32
      %dma_start3A_136 = arith.constant 0 : i32
      %dma_start3A_137 = arith.constant 0 : i32
      %dma_start3A_138 = tpu.memref_slice %arg8[%dma_start3A, %dma_start3A_135, %dma_start3A_136, %dma_start3A_137] : memref<5x4x8x768xf32, #tpu.memory_space<vmem>> -> memref<1x4x8x768xf32, #tpu.memory_space<vmem>>
      %dma_start3A_139 = tpu.memref_squeeze %dma_start3A_138 : memref<1x4x8x768xf32, #tpu.memory_space<vmem>> -> memref<4x8x768xf32, #tpu.memory_space<vmem>>
      %dma_start3A_140 = arith.constant 0 : i32
      %dma_start3A_141 = tpu.memref_slice %arg7[%add3A_134, %dma_start3A_140] : memref<40x4xi32, #tpu.memory_space<vmem>> -> memref<1x4xi32, #tpu.memory_space<vmem>>
      %dma_start3A_142 = tpu.memref_squeeze %dma_start3A_141 : memref<1x4xi32, #tpu.memory_space<vmem>> -> memref<4xi32, #tpu.memory_space<vmem>>
      %dma_start3A_143 = arith.constant 0 : i32
      %dma_start3A_144 = arith.constant 0 : i32
      %dma_start3A_145 = arith.constant 0 : i32
      %dma_start3A_146 = tpu.memref_slice %arg4[%dma_start3A_143, %dma_start3A_144, %dma_start3A_145] : memref<10000x8x768xf32, #tpu.memory_space<hbm>> -> memref<10000x8x768xf32, #tpu.memory_space<hbm>>
      tpu.enqueue_indirect_dma source(%dma_start3A_146 : memref<10000x8x768xf32, #tpu.memory_space<hbm>>) target(%dma_start3A_139 : memref<4x8x768xf32, #tpu.memory_space<vmem>>) offsets(%dma_start3A_142 : memref<4xi32, #tpu.memory_space<vmem>>) semaphore(%arg9 : memref<!tpu.dma_semaphore, #tpu.memory_space<semaphore_mem>>)
      %add3A_147 = arith.constant 0 : i32
      %add3A_148 = arith.addi %mul3A_2, %add3A_147 : i32
      %dma_wait3A_149 = arith.constant 1 : i32
      %dma_wait3A_150 = arith.constant 0 : i32
      %dma_wait3A_151 = arith.constant 0 : i32
      %dma_wait3A_152 = arith.constant 0 : i32
      %dma_wait3A_153 = tpu.memref_slice %arg8[%dma_wait3A_149, %dma_wait3A_150, %dma_wait3A_151, %dma_wait3A_152] : memref<5x4x8x768xf32, #tpu.memory_space<vmem>> -> memref<1x4x8x768xf32, #tpu.memory_space<vmem>>
      %dma_wait3A_154 = tpu.memref_squeeze %dma_wait3A_153 : memref<1x4x8x768xf32, #tpu.memory_space<vmem>> -> memref<4x8x768xf32, #tpu.memory_space<vmem>>
      %dma_wait3A_155 = arith.constant 8 : i32
      %dma_wait3A_156 = arith.constant 0 : i32
      %dma_wait3A_157 = tpu.memref_slice %arg6[%add3A_148, %dma_wait3A_155, %dma_wait3A_156] : memref<5120x24x768xf32, #tpu.memory_space<hbm>> -> memref<4x8x768xf32, #tpu.memory_space<hbm>>
      %dma_wait3A_158 = arith.constant 8 : i32
      %dma_wait3A_159 = arith.constant 0 : i32
      %dma_wait3A_160 = tpu.memref_slice %arg6[%add3A_148, %dma_wait3A_158, %dma_wait3A_159] : memref<5120x24x768xf32, #tpu.memory_space<hbm>> -> memref<4x8x768xf32, #tpu.memory_space<hbm>>
      %dma_wait3A_161 = arith.constant 0 : i32
      %dma_wait3A_162 = arith.constant 0 : i32
      %dma_wait3A_163 = arith.constant 0 : i32
      %dma_wait3A_164 = tpu.memref_slice %arg8[%dma_wait3A_149, %dma_wait3A_161, %dma_wait3A_162, %dma_wait3A_163] : memref<5x4x8x768xf32, #tpu.memory_space<vmem>> -> memref<1x4x8x768xf32, #tpu.memory_space<vmem>>
      %dma_wait3A_165 = tpu.memref_squeeze %dma_wait3A_164 : memref<1x4x8x768xf32, #tpu.memory_space<vmem>> -> memref<4x8x768xf32, #tpu.memory_space<vmem>>
      tpu.wait_dma2 semaphore(%arg10 : memref<!tpu.dma_semaphore, #tpu.memory_space<semaphore_mem>>) src(%dma_wait3A_165 : memref<4x8x768xf32, #tpu.memory_space<vmem>>) dst(%dma_wait3A_160 : memref<4x8x768xf32, #tpu.memory_space<hbm>>)
      %add3A_166 = arith.constant 1 : i32
      %add3A_167 = arith.addi %mul3A_113, %add3A_166 : i32
      %dma_start3A_168 = arith.constant 1 : i32
      %dma_start3A_169 = arith.constant 0 : i32
      %dma_start3A_170 = arith.constant 0 : i32
      %dma_start3A_171 = arith.constant 0 : i32
      %dma_start3A_172 = tpu.memref_slice %arg8[%dma_start3A_168, %dma_start3A_169, %dma_start3A_170, %dma_start3A_171] : memref<5x4x8x768xf32, #tpu.memory_space<vmem>> -> memref<1x4x8x768xf32, #tpu.memory_space<vmem>>
      %dma_start3A_173 = tpu.memref_squeeze %dma_start3A_172 : memref<1x4x8x768xf32, #tpu.memory_space<vmem>> -> memref<4x8x768xf32, #tpu.memory_space<vmem>>
      %dma_start3A_174 = arith.constant 0 : i32
      %dma_start3A_175 = tpu.memref_slice %arg7[%add3A_167, %dma_start3A_174] : memref<40x4xi32, #tpu.memory_space<vmem>> -> memref<1x4xi32, #tpu.memory_space<vmem>>
      %dma_start3A_176 = tpu.memref_squeeze %dma_start3A_175 : memref<1x4xi32, #tpu.memory_space<vmem>> -> memref<4xi32, #tpu.memory_space<vmem>>
      %dma_start3A_177 = arith.constant 0 : i32
      %dma_start3A_178 = arith.constant 0 : i32
      %dma_start3A_179 = arith.constant 0 : i32
      %dma_start3A_180 = tpu.memref_slice %arg4[%dma_start3A_177, %dma_start3A_178, %dma_start3A_179] : memref<10000x8x768xf32, #tpu.memory_space<hbm>> -> memref<10000x8x768xf32, #tpu.memory_space<hbm>>
      tpu.enqueue_indirect_dma source(%dma_start3A_180 : memref<10000x8x768xf32, #tpu.memory_space<hbm>>) target(%dma_start3A_173 : memref<4x8x768xf32, #tpu.memory_space<vmem>>) offsets(%dma_start3A_176 : memref<4xi32, #tpu.memory_space<vmem>>) semaphore(%arg9 : memref<!tpu.dma_semaphore, #tpu.memory_space<semaphore_mem>>)
      %add3A_181 = arith.constant 0 : i32
      %add3A_182 = arith.addi %mul3A_2, %add3A_181 : i32
      %dma_wait3A_183 = arith.constant 2 : i32
      %dma_wait3A_184 = arith.constant 0 : i32
      %dma_wait3A_185 = arith.constant 0 : i32
      %dma_wait3A_186 = arith.constant 0 : i32
      %dma_wait3A_187 = tpu.memref_slice %arg8[%dma_wait3A_183, %dma_wait3A_184, %dma_wait3A_185, %dma_wait3A_186] : memref<5x4x8x768xf32, #tpu.memory_space<vmem>> -> memref<1x4x8x768xf32, #tpu.memory_space<vmem>>
      %dma_wait3A_188 = tpu.memref_squeeze %dma_wait3A_187 : memref<1x4x8x768xf32, #tpu.memory_space<vmem>> -> memref<4x8x768xf32, #tpu.memory_space<vmem>>
      %dma_wait3A_189 = arith.constant 8 : i32
      %dma_wait3A_190 = arith.constant 0 : i32
      %dma_wait3A_191 = tpu.memref_slice %arg6[%add3A_182, %dma_wait3A_189, %dma_wait3A_190] : memref<5120x24x768xf32, #tpu.memory_space<hbm>> -> memref<4x8x768xf32, #tpu.memory_space<hbm>>
      %dma_wait3A_192 = arith.constant 8 : i32
      %dma_wait3A_193 = arith.constant 0 : i32
      %dma_wait3A_194 = tpu.memref_slice %arg6[%add3A_182, %dma_wait3A_192, %dma_wait3A_193] : memref<5120x24x768xf32, #tpu.memory_space<hbm>> -> memref<4x8x768xf32, #tpu.memory_space<hbm>>
      %dma_wait3A_195 = arith.constant 0 : i32
      %dma_wait3A_196 = arith.constant 0 : i32
      %dma_wait3A_197 = arith.constant 0 : i32
      %dma_wait3A_198 = tpu.memref_slice %arg8[%dma_wait3A_183, %dma_wait3A_195, %dma_wait3A_196, %dma_wait3A_197] : memref<5x4x8x768xf32, #tpu.memory_space<vmem>> -> memref<1x4x8x768xf32, #tpu.memory_space<vmem>>
      %dma_wait3A_199 = tpu.memref_squeeze %dma_wait3A_198 : memref<1x4x8x768xf32, #tpu.memory_space<vmem>> -> memref<4x8x768xf32, #tpu.memory_space<vmem>>
      tpu.wait_dma2 semaphore(%arg10 : memref<!tpu.dma_semaphore, #tpu.memory_space<semaphore_mem>>) src(%dma_wait3A_199 : memref<4x8x768xf32, #tpu.memory_space<vmem>>) dst(%dma_wait3A_194 : memref<4x8x768xf32, #tpu.memory_space<hbm>>)
      %add3A_200 = arith.constant 2 : i32
      %add3A_201 = arith.addi %mul3A_113, %add3A_200 : i32
      %dma_start3A_202 = arith.constant 2 : i32
      %dma_start3A_203 = arith.constant 0 : i32
      %dma_start3A_204 = arith.constant 0 : i32
      %dma_start3A_205 = arith.constant 0 : i32
      %dma_start3A_206 = tpu.memref_slice %arg8[%dma_start3A_202, %dma_start3A_203, %dma_start3A_204, %dma_start3A_205] : memref<5x4x8x768xf32, #tpu.memory_space<vmem>> -> memref<1x4x8x768xf32, #tpu.memory_space<vmem>>
      %dma_start3A_207 = tpu.memref_squeeze %dma_start3A_206 : memref<1x4x8x768xf32, #tpu.memory_space<vmem>> -> memref<4x8x768xf32, #tpu.memory_space<vmem>>
      %dma_start3A_208 = arith.constant 0 : i32
      %dma_start3A_209 = tpu.memref_slice %arg7[%add3A_201, %dma_start3A_208] : memref<40x4xi32, #tpu.memory_space<vmem>> -> memref<1x4xi32, #tpu.memory_space<vmem>>
      %dma_start3A_210 = tpu.memref_squeeze %dma_start3A_209 : memref<1x4xi32, #tpu.memory_space<vmem>> -> memref<4xi32, #tpu.memory_space<vmem>>
      %dma_start3A_211 = arith.constant 0 : i32
      %dma_start3A_212 = arith.constant 0 : i32
      %dma_start3A_213 = arith.constant 0 : i32
      %dma_start3A_214 = tpu.memref_slice %arg4[%dma_start3A_211, %dma_start3A_212, %dma_start3A_213] : memref<10000x8x768xf32, #tpu.memory_space<hbm>> -> memref<10000x8x768xf32, #tpu.memory_space<hbm>>
      tpu.enqueue_indirect_dma source(%dma_start3A_214 : memref<10000x8x768xf32, #tpu.memory_space<hbm>>) target(%dma_start3A_207 : memref<4x8x768xf32, #tpu.memory_space<vmem>>) offsets(%dma_start3A_210 : memref<4xi32, #tpu.memory_space<vmem>>) semaphore(%arg9 : memref<!tpu.dma_semaphore, #tpu.memory_space<semaphore_mem>>)
      %add3A_215 = arith.constant 0 : i32
      %add3A_216 = arith.addi %mul3A_2, %add3A_215 : i32
      %dma_wait3A_217 = arith.constant 3 : i32
      %dma_wait3A_218 = arith.constant 0 : i32
      %dma_wait3A_219 = arith.constant 0 : i32
      %dma_wait3A_220 = arith.constant 0 : i32
      %dma_wait3A_221 = tpu.memref_slice %arg8[%dma_wait3A_217, %dma_wait3A_218, %dma_wait3A_219, %dma_wait3A_220] : memref<5x4x8x768xf32, #tpu.memory_space<vmem>> -> memref<1x4x8x768xf32, #tpu.memory_space<vmem>>
      %dma_wait3A_222 = tpu.memref_squeeze %dma_wait3A_221 : memref<1x4x8x768xf32, #tpu.memory_space<vmem>> -> memref<4x8x768xf32, #tpu.memory_space<vmem>>
      %dma_wait3A_223 = arith.constant 8 : i32
      %dma_wait3A_224 = arith.constant 0 : i32
      %dma_wait3A_225 = tpu.memref_slice %arg6[%add3A_216, %dma_wait3A_223, %dma_wait3A_224] : memref<5120x24x768xf32, #tpu.memory_space<hbm>> -> memref<4x8x768xf32, #tpu.memory_space<hbm>>
      %dma_wait3A_226 = arith.constant 8 : i32
      %dma_wait3A_227 = arith.constant 0 : i32
      %dma_wait3A_228 = tpu.memref_slice %arg6[%add3A_216, %dma_wait3A_226, %dma_wait3A_227] : memref<5120x24x768xf32, #tpu.memory_space<hbm>> -> memref<4x8x768xf32, #tpu.memory_space<hbm>>
      %dma_wait3A_229 = arith.constant 0 : i32
      %dma_wait3A_230 = arith.constant 0 : i32
      %dma_wait3A_231 = arith.constant 0 : i32
      %dma_wait3A_232 = tpu.memref_slice %arg8[%dma_wait3A_217, %dma_wait3A_229, %dma_wait3A_230, %dma_wait3A_231] : memref<5x4x8x768xf32, #tpu.memory_space<vmem>> -> memref<1x4x8x768xf32, #tpu.memory_space<vmem>>
      %dma_wait3A_233 = tpu.memref_squeeze %dma_wait3A_232 : memref<1x4x8x768xf32, #tpu.memory_space<vmem>> -> memref<4x8x768xf32, #tpu.memory_space<vmem>>
      tpu.wait_dma2 semaphore(%arg10 : memref<!tpu.dma_semaphore, #tpu.memory_space<semaphore_mem>>) src(%dma_wait3A_233 : memref<4x8x768xf32, #tpu.memory_space<vmem>>) dst(%dma_wait3A_228 : memref<4x8x768xf32, #tpu.memory_space<hbm>>)
      %add3A_234 = arith.constant 3 : i32
      %add3A_235 = arith.addi %mul3A_113, %add3A_234 : i32
      %dma_start3A_236 = arith.constant 3 : i32
      %dma_start3A_237 = arith.constant 0 : i32
      %dma_start3A_238 = arith.constant 0 : i32
      %dma_start3A_239 = arith.constant 0 : i32
      %dma_start3A_240 = tpu.memref_slice %arg8[%dma_start3A_236, %dma_start3A_237, %dma_start3A_238, %dma_start3A_239] : memref<5x4x8x768xf32, #tpu.memory_space<vmem>> -> memref<1x4x8x768xf32, #tpu.memory_space<vmem>>
      %dma_start3A_241 = tpu.memref_squeeze %dma_start3A_240 : memref<1x4x8x768xf32, #tpu.memory_space<vmem>> -> memref<4x8x768xf32, #tpu.memory_space<vmem>>
      %dma_start3A_242 = arith.constant 0 : i32
      %dma_start3A_243 = tpu.memref_slice %arg7[%add3A_235, %dma_start3A_242] : memref<40x4xi32, #tpu.memory_space<vmem>> -> memref<1x4xi32, #tpu.memory_space<vmem>>
      %dma_start3A_244 = tpu.memref_squeeze %dma_start3A_243 : memref<1x4xi32, #tpu.memory_space<vmem>> -> memref<4xi32, #tpu.memory_space<vmem>>
      %dma_start3A_245 = arith.constant 0 : i32
      %dma_start3A_246 = arith.constant 0 : i32
      %dma_start3A_247 = arith.constant 0 : i32
      %dma_start3A_248 = tpu.memref_slice %arg4[%dma_start3A_245, %dma_start3A_246, %dma_start3A_247] : memref<10000x8x768xf32, #tpu.memory_space<hbm>> -> memref<10000x8x768xf32, #tpu.memory_space<hbm>>
      tpu.enqueue_indirect_dma source(%dma_start3A_248 : memref<10000x8x768xf32, #tpu.memory_space<hbm>>) target(%dma_start3A_241 : memref<4x8x768xf32, #tpu.memory_space<vmem>>) offsets(%dma_start3A_244 : memref<4xi32, #tpu.memory_space<vmem>>) semaphore(%arg9 : memref<!tpu.dma_semaphore, #tpu.memory_space<semaphore_mem>>)
      %add3A_249 = arith.constant 0 : i32
      %add3A_250 = arith.addi %mul3A_2, %add3A_249 : i32
      %dma_wait3A_251 = arith.constant 4 : i32
      %dma_wait3A_252 = arith.constant 0 : i32
      %dma_wait3A_253 = arith.constant 0 : i32
      %dma_wait3A_254 = arith.constant 0 : i32
      %dma_wait3A_255 = tpu.memref_slice %arg8[%dma_wait3A_251, %dma_wait3A_252, %dma_wait3A_253, %dma_wait3A_254] : memref<5x4x8x768xf32, #tpu.memory_space<vmem>> -> memref<1x4x8x768xf32, #tpu.memory_space<vmem>>
      %dma_wait3A_256 = tpu.memref_squeeze %dma_wait3A_255 : memref<1x4x8x768xf32, #tpu.memory_space<vmem>> -> memref<4x8x768xf32, #tpu.memory_space<vmem>>
      %dma_wait3A_257 = arith.constant 8 : i32
      %dma_wait3A_258 = arith.constant 0 : i32
      %dma_wait3A_259 = tpu.memref_slice %arg6[%add3A_250, %dma_wait3A_257, %dma_wait3A_258] : memref<5120x24x768xf32, #tpu.memory_space<hbm>> -> memref<4x8x768xf32, #tpu.memory_space<hbm>>
      %dma_wait3A_260 = arith.constant 8 : i32
      %dma_wait3A_261 = arith.constant 0 : i32
      %dma_wait3A_262 = tpu.memref_slice %arg6[%add3A_250, %dma_wait3A_260, %dma_wait3A_261] : memref<5120x24x768xf32, #tpu.memory_space<hbm>> -> memref<4x8x768xf32, #tpu.memory_space<hbm>>
      %dma_wait3A_263 = arith.constant 0 : i32
      %dma_wait3A_264 = arith.constant 0 : i32
      %dma_wait3A_265 = arith.constant 0 : i32
      %dma_wait3A_266 = tpu.memref_slice %arg8[%dma_wait3A_251, %dma_wait3A_263, %dma_wait3A_264, %dma_wait3A_265] : memref<5x4x8x768xf32, #tpu.memory_space<vmem>> -> memref<1x4x8x768xf32, #tpu.memory_space<vmem>>
      %dma_wait3A_267 = tpu.memref_squeeze %dma_wait3A_266 : memref<1x4x8x768xf32, #tpu.memory_space<vmem>> -> memref<4x8x768xf32, #tpu.memory_space<vmem>>
      tpu.wait_dma2 semaphore(%arg10 : memref<!tpu.dma_semaphore, #tpu.memory_space<semaphore_mem>>) src(%dma_wait3A_267 : memref<4x8x768xf32, #tpu.memory_space<vmem>>) dst(%dma_wait3A_262 : memref<4x8x768xf32, #tpu.memory_space<hbm>>)
      %add3A_268 = arith.constant 4 : i32
      %add3A_269 = arith.addi %mul3A_113, %add3A_268 : i32
      %dma_start3A_270 = arith.constant 4 : i32
      %dma_start3A_271 = arith.constant 0 : i32
      %dma_start3A_272 = arith.constant 0 : i32
      %dma_start3A_273 = arith.constant 0 : i32
      %dma_start3A_274 = tpu.memref_slice %arg8[%dma_start3A_270, %dma_start3A_271, %dma_start3A_272, %dma_start3A_273] : memref<5x4x8x768xf32, #tpu.memory_space<vmem>> -> memref<1x4x8x768xf32, #tpu.memory_space<vmem>>
      %dma_start3A_275 = tpu.memref_squeeze %dma_start3A_274 : memref<1x4x8x768xf32, #tpu.memory_space<vmem>> -> memref<4x8x768xf32, #tpu.memory_space<vmem>>
      %dma_start3A_276 = arith.constant 0 : i32
      %dma_start3A_277 = tpu.memref_slice %arg7[%add3A_269, %dma_start3A_276] : memref<40x4xi32, #tpu.memory_space<vmem>> -> memref<1x4xi32, #tpu.memory_space<vmem>>
      %dma_start3A_278 = tpu.memref_squeeze %dma_start3A_277 : memref<1x4xi32, #tpu.memory_space<vmem>> -> memref<4xi32, #tpu.memory_space<vmem>>
      %dma_start3A_279 = arith.constant 0 : i32
      %dma_start3A_280 = arith.constant 0 : i32
      %dma_start3A_281 = arith.constant 0 : i32
      %dma_start3A_282 = tpu.memref_slice %arg4[%dma_start3A_279, %dma_start3A_280, %dma_start3A_281] : memref<10000x8x768xf32, #tpu.memory_space<hbm>> -> memref<10000x8x768xf32, #tpu.memory_space<hbm>>
      tpu.enqueue_indirect_dma source(%dma_start3A_282 : memref<10000x8x768xf32, #tpu.memory_space<hbm>>) target(%dma_start3A_275 : memref<4x8x768xf32, #tpu.memory_space<vmem>>) offsets(%dma_start3A_278 : memref<4xi32, #tpu.memory_space<vmem>>) semaphore(%arg9 : memref<!tpu.dma_semaphore, #tpu.memory_space<semaphore_mem>>)
      %dma_wait3A_283 = arith.constant 0 : i32
      %dma_wait3A_284 = arith.constant 0 : i32
      %dma_wait3A_285 = arith.constant 0 : i32
      %dma_wait3A_286 = arith.constant 0 : i32
      %dma_wait3A_287 = tpu.memref_slice %arg8[%dma_wait3A_283, %dma_wait3A_284, %dma_wait3A_285, %dma_wait3A_286] : memref<5x4x8x768xf32, #tpu.memory_space<vmem>> -> memref<1x4x8x768xf32, #tpu.memory_space<vmem>>
      %dma_wait3A_288 = tpu.memref_squeeze %dma_wait3A_287 : memref<1x4x8x768xf32, #tpu.memory_space<vmem>> -> memref<4x8x768xf32, #tpu.memory_space<vmem>>
      %dma_wait3A_289 = arith.constant 0 : i32
      %dma_wait3A_290 = tpu.memref_slice %arg7[%add3A_134, %dma_wait3A_289] : memref<40x4xi32, #tpu.memory_space<vmem>> -> memref<1x4xi32, #tpu.memory_space<vmem>>
      %dma_wait3A_291 = tpu.memref_squeeze %dma_wait3A_290 : memref<1x4xi32, #tpu.memory_space<vmem>> -> memref<4xi32, #tpu.memory_space<vmem>>
      %dma_wait3A_292 = arith.constant 0 : i32
      %dma_wait3A_293 = arith.constant 0 : i32
      %dma_wait3A_294 = arith.constant 0 : i32
      %dma_wait3A_295 = tpu.memref_slice %arg4[%dma_wait3A_292, %dma_wait3A_293, %dma_wait3A_294] : memref<10000x8x768xf32, #tpu.memory_space<hbm>> -> memref<10000x8x768xf32, #tpu.memory_space<hbm>>
      tpu.wait_indirect_dma semaphore(%arg9 : memref<!tpu.dma_semaphore, #tpu.memory_space<semaphore_mem>>) src(%dma_wait3A_295 : memref<10000x8x768xf32, #tpu.memory_space<hbm>>) dst(%dma_wait3A_288 : memref<4x8x768xf32, #tpu.memory_space<vmem>>)
      %add3A_296 = arith.constant 0 : i32
      %add3A_297 = arith.addi %mul3A_113, %add3A_296 : i32
      %mul3A_298 = arith.constant 4 : i32
      %mul3A_299 = arith.muli %add3A_297, %mul3A_298 : i32
      %add3A_300 = arith.addi %mul3A_2, %mul3A_299 : i32
      %dma_start3A_301 = arith.constant 0 : i32
      %dma_start3A_302 = arith.constant 0 : i32
      %dma_start3A_303 = arith.constant 0 : i32
      %dma_start3A_304 = arith.constant 0 : i32
      %dma_start3A_305 = tpu.memref_slice %arg8[%dma_start3A_301, %dma_start3A_302, %dma_start3A_303, %dma_start3A_304] : memref<5x4x8x768xf32, #tpu.memory_space<vmem>> -> memref<1x4x8x768xf32, #tpu.memory_space<vmem>>
      %dma_start3A_306 = tpu.memref_squeeze %dma_start3A_305 : memref<1x4x8x768xf32, #tpu.memory_space<vmem>> -> memref<4x8x768xf32, #tpu.memory_space<vmem>>
      %dma_start3A_307 = arith.constant 8 : i32
      %dma_start3A_308 = arith.constant 0 : i32
      %dma_start3A_309 = tpu.memref_slice %arg6[%add3A_300, %dma_start3A_307, %dma_start3A_308] : memref<5120x24x768xf32, #tpu.memory_space<hbm>> -> memref<4x8x768xf32, #tpu.memory_space<hbm>>
      %dma_start3A_310 = arith.constant 8 : i32
      %dma_start3A_311 = arith.constant 0 : i32
      %dma_start3A_312 = tpu.memref_slice %arg6[%add3A_300, %dma_start3A_310, %dma_start3A_311] : memref<5120x24x768xf32, #tpu.memory_space<hbm>> -> memref<4x8x768xf32, #tpu.memory_space<hbm>>
      %dma_start3A_313 = arith.constant 0 : i32
      %dma_start3A_314 = arith.constant 0 : i32
      %dma_start3A_315 = arith.constant 0 : i32
      %dma_start3A_316 = tpu.memref_slice %arg8[%dma_start3A_301, %dma_start3A_313, %dma_start3A_314, %dma_start3A_315] : memref<5x4x8x768xf32, #tpu.memory_space<vmem>> -> memref<1x4x8x768xf32, #tpu.memory_space<vmem>>
      %dma_start3A_317 = tpu.memref_squeeze %dma_start3A_316 : memref<1x4x8x768xf32, #tpu.memory_space<vmem>> -> memref<4x8x768xf32, #tpu.memory_space<vmem>>
      tpu.enqueue_dma source(%dma_start3A_317 : memref<4x8x768xf32, #tpu.memory_space<vmem>>) target(%dma_start3A_312 : memref<4x8x768xf32, #tpu.memory_space<hbm>>) target_semaphore(%arg10 : memref<!tpu.dma_semaphore, #tpu.memory_space<semaphore_mem>>)
      %dma_wait3A_318 = arith.constant 1 : i32
      %dma_wait3A_319 = arith.constant 0 : i32
      %dma_wait3A_320 = arith.constant 0 : i32
      %dma_wait3A_321 = arith.constant 0 : i32
      %dma_wait3A_322 = tpu.memref_slice %arg8[%dma_wait3A_318, %dma_wait3A_319, %dma_wait3A_320, %dma_wait3A_321] : memref<5x4x8x768xf32, #tpu.memory_space<vmem>> -> memref<1x4x8x768xf32, #tpu.memory_space<vmem>>
      %dma_wait3A_323 = tpu.memref_squeeze %dma_wait3A_322 : memref<1x4x8x768xf32, #tpu.memory_space<vmem>> -> memref<4x8x768xf32, #tpu.memory_space<vmem>>
      %dma_wait3A_324 = arith.constant 0 : i32
      %dma_wait3A_325 = tpu.memref_slice %arg7[%add3A_167, %dma_wait3A_324] : memref<40x4xi32, #tpu.memory_space<vmem>> -> memref<1x4xi32, #tpu.memory_space<vmem>>
      %dma_wait3A_326 = tpu.memref_squeeze %dma_wait3A_325 : memref<1x4xi32, #tpu.memory_space<vmem>> -> memref<4xi32, #tpu.memory_space<vmem>>
      %dma_wait3A_327 = arith.constant 0 : i32
      %dma_wait3A_328 = arith.constant 0 : i32
      %dma_wait3A_329 = arith.constant 0 : i32
      %dma_wait3A_330 = tpu.memref_slice %arg4[%dma_wait3A_327, %dma_wait3A_328, %dma_wait3A_329] : memref<10000x8x768xf32, #tpu.memory_space<hbm>> -> memref<10000x8x768xf32, #tpu.memory_space<hbm>>
      tpu.wait_indirect_dma semaphore(%arg9 : memref<!tpu.dma_semaphore, #tpu.memory_space<semaphore_mem>>) src(%dma_wait3A_330 : memref<10000x8x768xf32, #tpu.memory_space<hbm>>) dst(%dma_wait3A_323 : memref<4x8x768xf32, #tpu.memory_space<vmem>>)
      %add3A_331 = arith.constant 1 : i32
      %add3A_332 = arith.addi %mul3A_113, %add3A_331 : i32
      %mul3A_333 = arith.constant 4 : i32
      %mul3A_334 = arith.muli %add3A_332, %mul3A_333 : i32
      %add3A_335 = arith.addi %mul3A_2, %mul3A_334 : i32
      %dma_start3A_336 = arith.constant 1 : i32
      %dma_start3A_337 = arith.constant 0 : i32
      %dma_start3A_338 = arith.constant 0 : i32
      %dma_start3A_339 = arith.constant 0 : i32
      %dma_start3A_340 = tpu.memref_slice %arg8[%dma_start3A_336, %dma_start3A_337, %dma_start3A_338, %dma_start3A_339] : memref<5x4x8x768xf32, #tpu.memory_space<vmem>> -> memref<1x4x8x768xf32, #tpu.memory_space<vmem>>
      %dma_start3A_341 = tpu.memref_squeeze %dma_start3A_340 : memref<1x4x8x768xf32, #tpu.memory_space<vmem>> -> memref<4x8x768xf32, #tpu.memory_space<vmem>>
      %dma_start3A_342 = arith.constant 8 : i32
      %dma_start3A_343 = arith.constant 0 : i32
      %dma_start3A_344 = tpu.memref_slice %arg6[%add3A_335, %dma_start3A_342, %dma_start3A_343] : memref<5120x24x768xf32, #tpu.memory_space<hbm>> -> memref<4x8x768xf32, #tpu.memory_space<hbm>>
      %dma_start3A_345 = arith.constant 8 : i32
      %dma_start3A_346 = arith.constant 0 : i32
      %dma_start3A_347 = tpu.memref_slice %arg6[%add3A_335, %dma_start3A_345, %dma_start3A_346] : memref<5120x24x768xf32, #tpu.memory_space<hbm>> -> memref<4x8x768xf32, #tpu.memory_space<hbm>>
      %dma_start3A_348 = arith.constant 0 : i32
      %dma_start3A_349 = arith.constant 0 : i32
      %dma_start3A_350 = arith.constant 0 : i32
      %dma_start3A_351 = tpu.memref_slice %arg8[%dma_start3A_336, %dma_start3A_348, %dma_start3A_349, %dma_start3A_350] : memref<5x4x8x768xf32, #tpu.memory_space<vmem>> -> memref<1x4x8x768xf32, #tpu.memory_space<vmem>>
      %dma_start3A_352 = tpu.memref_squeeze %dma_start3A_351 : memref<1x4x8x768xf32, #tpu.memory_space<vmem>> -> memref<4x8x768xf32, #tpu.memory_space<vmem>>
      tpu.enqueue_dma source(%dma_start3A_352 : memref<4x8x768xf32, #tpu.memory_space<vmem>>) target(%dma_start3A_347 : memref<4x8x768xf32, #tpu.memory_space<hbm>>) target_semaphore(%arg10 : memref<!tpu.dma_semaphore, #tpu.memory_space<semaphore_mem>>)
      %dma_wait3A_353 = arith.constant 2 : i32
      %dma_wait3A_354 = arith.constant 0 : i32
      %dma_wait3A_355 = arith.constant 0 : i32
      %dma_wait3A_356 = arith.constant 0 : i32
      %dma_wait3A_357 = tpu.memref_slice %arg8[%dma_wait3A_353, %dma_wait3A_354, %dma_wait3A_355, %dma_wait3A_356] : memref<5x4x8x768xf32, #tpu.memory_space<vmem>> -> memref<1x4x8x768xf32, #tpu.memory_space<vmem>>
      %dma_wait3A_358 = tpu.memref_squeeze %dma_wait3A_357 : memref<1x4x8x768xf32, #tpu.memory_space<vmem>> -> memref<4x8x768xf32, #tpu.memory_space<vmem>>
      %dma_wait3A_359 = arith.constant 0 : i32
      %dma_wait3A_360 = tpu.memref_slice %arg7[%add3A_201, %dma_wait3A_359] : memref<40x4xi32, #tpu.memory_space<vmem>> -> memref<1x4xi32, #tpu.memory_space<vmem>>
      %dma_wait3A_361 = tpu.memref_squeeze %dma_wait3A_360 : memref<1x4xi32, #tpu.memory_space<vmem>> -> memref<4xi32, #tpu.memory_space<vmem>>
      %dma_wait3A_362 = arith.constant 0 : i32
      %dma_wait3A_363 = arith.constant 0 : i32
      %dma_wait3A_364 = arith.constant 0 : i32
      %dma_wait3A_365 = tpu.memref_slice %arg4[%dma_wait3A_362, %dma_wait3A_363, %dma_wait3A_364] : memref<10000x8x768xf32, #tpu.memory_space<hbm>> -> memref<10000x8x768xf32, #tpu.memory_space<hbm>>
      tpu.wait_indirect_dma semaphore(%arg9 : memref<!tpu.dma_semaphore, #tpu.memory_space<semaphore_mem>>) src(%dma_wait3A_365 : memref<10000x8x768xf32, #tpu.memory_space<hbm>>) dst(%dma_wait3A_358 : memref<4x8x768xf32, #tpu.memory_space<vmem>>)
      %add3A_366 = arith.constant 2 : i32
      %add3A_367 = arith.addi %mul3A_113, %add3A_366 : i32
      %mul3A_368 = arith.constant 4 : i32
      %mul3A_369 = arith.muli %add3A_367, %mul3A_368 : i32
      %add3A_370 = arith.addi %mul3A_2, %mul3A_369 : i32
      %dma_start3A_371 = arith.constant 2 : i32
      %dma_start3A_372 = arith.constant 0 : i32
      %dma_start3A_373 = arith.constant 0 : i32
      %dma_start3A_374 = arith.constant 0 : i32
      %dma_start3A_375 = tpu.memref_slice %arg8[%dma_start3A_371, %dma_start3A_372, %dma_start3A_373, %dma_start3A_374] : memref<5x4x8x768xf32, #tpu.memory_space<vmem>> -> memref<1x4x8x768xf32, #tpu.memory_space<vmem>>
      %dma_start3A_376 = tpu.memref_squeeze %dma_start3A_375 : memref<1x4x8x768xf32, #tpu.memory_space<vmem>> -> memref<4x8x768xf32, #tpu.memory_space<vmem>>
      %dma_start3A_377 = arith.constant 8 : i32
      %dma_start3A_378 = arith.constant 0 : i32
      %dma_start3A_379 = tpu.memref_slice %arg6[%add3A_370, %dma_start3A_377, %dma_start3A_378] : memref<5120x24x768xf32, #tpu.memory_space<hbm>> -> memref<4x8x768xf32, #tpu.memory_space<hbm>>
      %dma_start3A_380 = arith.constant 8 : i32
      %dma_start3A_381 = arith.constant 0 : i32
      %dma_start3A_382 = tpu.memref_slice %arg6[%add3A_370, %dma_start3A_380, %dma_start3A_381] : memref<5120x24x768xf32, #tpu.memory_space<hbm>> -> memref<4x8x768xf32, #tpu.memory_space<hbm>>
      %dma_start3A_383 = arith.constant 0 : i32
      %dma_start3A_384 = arith.constant 0 : i32
      %dma_start3A_385 = arith.constant 0 : i32
      %dma_start3A_386 = tpu.memref_slice %arg8[%dma_start3A_371, %dma_start3A_383, %dma_start3A_384, %dma_start3A_385] : memref<5x4x8x768xf32, #tpu.memory_space<vmem>> -> memref<1x4x8x768xf32, #tpu.memory_space<vmem>>
      %dma_start3A_387 = tpu.memref_squeeze %dma_start3A_386 : memref<1x4x8x768xf32, #tpu.memory_space<vmem>> -> memref<4x8x768xf32, #tpu.memory_space<vmem>>
      tpu.enqueue_dma source(%dma_start3A_387 : memref<4x8x768xf32, #tpu.memory_space<vmem>>) target(%dma_start3A_382 : memref<4x8x768xf32, #tpu.memory_space<hbm>>) target_semaphore(%arg10 : memref<!tpu.dma_semaphore, #tpu.memory_space<semaphore_mem>>)
      %dma_wait3A_388 = arith.constant 3 : i32
      %dma_wait3A_389 = arith.constant 0 : i32
      %dma_wait3A_390 = arith.constant 0 : i32
      %dma_wait3A_391 = arith.constant 0 : i32
      %dma_wait3A_392 = tpu.memref_slice %arg8[%dma_wait3A_388, %dma_wait3A_389, %dma_wait3A_390, %dma_wait3A_391] : memref<5x4x8x768xf32, #tpu.memory_space<vmem>> -> memref<1x4x8x768xf32, #tpu.memory_space<vmem>>
      %dma_wait3A_393 = tpu.memref_squeeze %dma_wait3A_392 : memref<1x4x8x768xf32, #tpu.memory_space<vmem>> -> memref<4x8x768xf32, #tpu.memory_space<vmem>>
      %dma_wait3A_394 = arith.constant 0 : i32
      %dma_wait3A_395 = tpu.memref_slice %arg7[%add3A_235, %dma_wait3A_394] : memref<40x4xi32, #tpu.memory_space<vmem>> -> memref<1x4xi32, #tpu.memory_space<vmem>>
      %dma_wait3A_396 = tpu.memref_squeeze %dma_wait3A_395 : memref<1x4xi32, #tpu.memory_space<vmem>> -> memref<4xi32, #tpu.memory_space<vmem>>
      %dma_wait3A_397 = arith.constant 0 : i32
      %dma_wait3A_398 = arith.constant 0 : i32
      %dma_wait3A_399 = arith.constant 0 : i32
      %dma_wait3A_400 = tpu.memref_slice %arg4[%dma_wait3A_397, %dma_wait3A_398, %dma_wait3A_399] : memref<10000x8x768xf32, #tpu.memory_space<hbm>> -> memref<10000x8x768xf32, #tpu.memory_space<hbm>>
      tpu.wait_indirect_dma semaphore(%arg9 : memref<!tpu.dma_semaphore, #tpu.memory_space<semaphore_mem>>) src(%dma_wait3A_400 : memref<10000x8x768xf32, #tpu.memory_space<hbm>>) dst(%dma_wait3A_393 : memref<4x8x768xf32, #tpu.memory_space<vmem>>)
      %add3A_401 = arith.constant 3 : i32
      %add3A_402 = arith.addi %mul3A_113, %add3A_401 : i32
      %mul3A_403 = arith.constant 4 : i32
      %mul3A_404 = arith.muli %add3A_402, %mul3A_403 : i32
      %add3A_405 = arith.addi %mul3A_2, %mul3A_404 : i32
      %dma_start3A_406 = arith.constant 3 : i32
      %dma_start3A_407 = arith.constant 0 : i32
      %dma_start3A_408 = arith.constant 0 : i32
      %dma_start3A_409 = arith.constant 0 : i32
      %dma_start3A_410 = tpu.memref_slice %arg8[%dma_start3A_406, %dma_start3A_407, %dma_start3A_408, %dma_start3A_409] : memref<5x4x8x768xf32, #tpu.memory_space<vmem>> -> memref<1x4x8x768xf32, #tpu.memory_space<vmem>>
      %dma_start3A_411 = tpu.memref_squeeze %dma_start3A_410 : memref<1x4x8x768xf32, #tpu.memory_space<vmem>> -> memref<4x8x768xf32, #tpu.memory_space<vmem>>
      %dma_start3A_412 = arith.constant 8 : i32
      %dma_start3A_413 = arith.constant 0 : i32
      %dma_start3A_414 = tpu.memref_slice %arg6[%add3A_405, %dma_start3A_412, %dma_start3A_413] : memref<5120x24x768xf32, #tpu.memory_space<hbm>> -> memref<4x8x768xf32, #tpu.memory_space<hbm>>
      %dma_start3A_415 = arith.constant 8 : i32
      %dma_start3A_416 = arith.constant 0 : i32
      %dma_start3A_417 = tpu.memref_slice %arg6[%add3A_405, %dma_start3A_415, %dma_start3A_416] : memref<5120x24x768xf32, #tpu.memory_space<hbm>> -> memref<4x8x768xf32, #tpu.memory_space<hbm>>
      %dma_start3A_418 = arith.constant 0 : i32
      %dma_start3A_419 = arith.constant 0 : i32
      %dma_start3A_420 = arith.constant 0 : i32
      %dma_start3A_421 = tpu.memref_slice %arg8[%dma_start3A_406, %dma_start3A_418, %dma_start3A_419, %dma_start3A_420] : memref<5x4x8x768xf32, #tpu.memory_space<vmem>> -> memref<1x4x8x768xf32, #tpu.memory_space<vmem>>
      %dma_start3A_422 = tpu.memref_squeeze %dma_start3A_421 : memref<1x4x8x768xf32, #tpu.memory_space<vmem>> -> memref<4x8x768xf32, #tpu.memory_space<vmem>>
      tpu.enqueue_dma source(%dma_start3A_422 : memref<4x8x768xf32, #tpu.memory_space<vmem>>) target(%dma_start3A_417 : memref<4x8x768xf32, #tpu.memory_space<hbm>>) target_semaphore(%arg10 : memref<!tpu.dma_semaphore, #tpu.memory_space<semaphore_mem>>)
      %dma_wait3A_423 = arith.constant 4 : i32
      %dma_wait3A_424 = arith.constant 0 : i32
      %dma_wait3A_425 = arith.constant 0 : i32
      %dma_wait3A_426 = arith.constant 0 : i32
      %dma_wait3A_427 = tpu.memref_slice %arg8[%dma_wait3A_423, %dma_wait3A_424, %dma_wait3A_425, %dma_wait3A_426] : memref<5x4x8x768xf32, #tpu.memory_space<vmem>> -> memref<1x4x8x768xf32, #tpu.memory_space<vmem>>
      %dma_wait3A_428 = tpu.memref_squeeze %dma_wait3A_427 : memref<1x4x8x768xf32, #tpu.memory_space<vmem>> -> memref<4x8x768xf32, #tpu.memory_space<vmem>>
      %dma_wait3A_429 = arith.constant 0 : i32
      %dma_wait3A_430 = tpu.memref_slice %arg7[%add3A_269, %dma_wait3A_429] : memref<40x4xi32, #tpu.memory_space<vmem>> -> memref<1x4xi32, #tpu.memory_space<vmem>>
      %dma_wait3A_431 = tpu.memref_squeeze %dma_wait3A_430 : memref<1x4xi32, #tpu.memory_space<vmem>> -> memref<4xi32, #tpu.memory_space<vmem>>
      %dma_wait3A_432 = arith.constant 0 : i32
      %dma_wait3A_433 = arith.constant 0 : i32
      %dma_wait3A_434 = arith.constant 0 : i32
      %dma_wait3A_435 = tpu.memref_slice %arg4[%dma_wait3A_432, %dma_wait3A_433, %dma_wait3A_434] : memref<10000x8x768xf32, #tpu.memory_space<hbm>> -> memref<10000x8x768xf32, #tpu.memory_space<hbm>>
      tpu.wait_indirect_dma semaphore(%arg9 : memref<!tpu.dma_semaphore, #tpu.memory_space<semaphore_mem>>) src(%dma_wait3A_435 : memref<10000x8x768xf32, #tpu.memory_space<hbm>>) dst(%dma_wait3A_428 : memref<4x8x768xf32, #tpu.memory_space<vmem>>)
      %add3A_436 = arith.constant 4 : i32
      %add3A_437 = arith.addi %mul3A_113, %add3A_436 : i32
      %mul3A_438 = arith.constant 4 : i32
      %mul3A_439 = arith.muli %add3A_437, %mul3A_438 : i32
      %add3A_440 = arith.addi %mul3A_2, %mul3A_439 : i32
      %dma_start3A_441 = arith.constant 4 : i32
      %dma_start3A_442 = arith.constant 0 : i32
      %dma_start3A_443 = arith.constant 0 : i32
      %dma_start3A_444 = arith.constant 0 : i32
      %dma_start3A_445 = tpu.memref_slice %arg8[%dma_start3A_441, %dma_start3A_442, %dma_start3A_443, %dma_start3A_444] : memref<5x4x8x768xf32, #tpu.memory_space<vmem>> -> memref<1x4x8x768xf32, #tpu.memory_space<vmem>>
      %dma_start3A_446 = tpu.memref_squeeze %dma_start3A_445 : memref<1x4x8x768xf32, #tpu.memory_space<vmem>> -> memref<4x8x768xf32, #tpu.memory_space<vmem>>
      %dma_start3A_447 = arith.constant 8 : i32
      %dma_start3A_448 = arith.constant 0 : i32
      %dma_start3A_449 = tpu.memref_slice %arg6[%add3A_440, %dma_start3A_447, %dma_start3A_448] : memref<5120x24x768xf32, #tpu.memory_space<hbm>> -> memref<4x8x768xf32, #tpu.memory_space<hbm>>
      %dma_start3A_450 = arith.constant 8 : i32
      %dma_start3A_451 = arith.constant 0 : i32
      %dma_start3A_452 = tpu.memref_slice %arg6[%add3A_440, %dma_start3A_450, %dma_start3A_451] : memref<5120x24x768xf32, #tpu.memory_space<hbm>> -> memref<4x8x768xf32, #tpu.memory_space<hbm>>
      %dma_start3A_453 = arith.constant 0 : i32
      %dma_start3A_454 = arith.constant 0 : i32
      %dma_start3A_455 = arith.constant 0 : i32
      %dma_start3A_456 = tpu.memref_slice %arg8[%dma_start3A_441, %dma_start3A_453, %dma_start3A_454, %dma_start3A_455] : memref<5x4x8x768xf32, #tpu.memory_space<vmem>> -> memref<1x4x8x768xf32, #tpu.memory_space<vmem>>
      %dma_start3A_457 = tpu.memref_squeeze %dma_start3A_456 : memref<1x4x8x768xf32, #tpu.memory_space<vmem>> -> memref<4x8x768xf32, #tpu.memory_space<vmem>>
      tpu.enqueue_dma source(%dma_start3A_457 : memref<4x8x768xf32, #tpu.memory_space<vmem>>) target(%dma_start3A_452 : memref<4x8x768xf32, #tpu.memory_space<hbm>>) target_semaphore(%arg10 : memref<!tpu.dma_semaphore, #tpu.memory_space<semaphore_mem>>)
    }
    %scan3A_11 = arith.constant 8 : i32
    %scan3A_12 = arith.constant 0 : i32
    %scan3A_13 = arith.constant 8 : i32
    %scan3A_14 = arith.addi %scan3A_12, %scan3A_13 : i32
    %scan3A_15 = arith.constant 1 : i32
    scf.for %scan3A_111 = %scan3A_12 to %scan3A_14 step %scan3A_15  : i32 {
      %mul3A_112 = arith.constant 5 : i32
      %mul3A_113 = arith.muli %scan3A_111, %mul3A_112 : i32
      %add3A_114 = arith.constant 0 : i32
      %add3A_115 = arith.addi %mul3A_2, %add3A_114 : i32
      %dma_wait3A_116 = arith.constant 0 : i32
      %dma_wait3A_117 = arith.constant 0 : i32
      %dma_wait3A_118 = arith.constant 0 : i32
      %dma_wait3A_119 = arith.constant 0 : i32
      %dma_wait3A_120 = tpu.memref_slice %arg8[%dma_wait3A_116, %dma_wait3A_117, %dma_wait3A_118, %dma_wait3A_119] : memref<5x4x8x768xf32, #tpu.memory_space<vmem>> -> memref<1x4x8x768xf32, #tpu.memory_space<vmem>>
      %dma_wait3A_121 = tpu.memref_squeeze %dma_wait3A_120 : memref<1x4x8x768xf32, #tpu.memory_space<vmem>> -> memref<4x8x768xf32, #tpu.memory_space<vmem>>
      %dma_wait3A_122 = arith.constant 16 : i32
      %dma_wait3A_123 = arith.constant 0 : i32
      %dma_wait3A_124 = tpu.memref_slice %arg6[%add3A_115, %dma_wait3A_122, %dma_wait3A_123] : memref<5120x24x768xf32, #tpu.memory_space<hbm>> -> memref<4x8x768xf32, #tpu.memory_space<hbm>>
      %dma_wait3A_125 = arith.constant 16 : i32
      %dma_wait3A_126 = arith.constant 0 : i32
      %dma_wait3A_127 = tpu.memref_slice %arg6[%add3A_115, %dma_wait3A_125, %dma_wait3A_126] : memref<5120x24x768xf32, #tpu.memory_space<hbm>> -> memref<4x8x768xf32, #tpu.memory_space<hbm>>
      %dma_wait3A_128 = arith.constant 0 : i32
      %dma_wait3A_129 = arith.constant 0 : i32
      %dma_wait3A_130 = arith.constant 0 : i32
      %dma_wait3A_131 = tpu.memref_slice %arg8[%dma_wait3A_116, %dma_wait3A_128, %dma_wait3A_129, %dma_wait3A_130] : memref<5x4x8x768xf32, #tpu.memory_space<vmem>> -> memref<1x4x8x768xf32, #tpu.memory_space<vmem>>
      %dma_wait3A_132 = tpu.memref_squeeze %dma_wait3A_131 : memref<1x4x8x768xf32, #tpu.memory_space<vmem>> -> memref<4x8x768xf32, #tpu.memory_space<vmem>>
      tpu.wait_dma2 semaphore(%arg10 : memref<!tpu.dma_semaphore, #tpu.memory_space<semaphore_mem>>) src(%dma_wait3A_132 : memref<4x8x768xf32, #tpu.memory_space<vmem>>) dst(%dma_wait3A_127 : memref<4x8x768xf32, #tpu.memory_space<hbm>>)
      %add3A_133 = arith.constant 0 : i32
      %add3A_134 = arith.addi %mul3A_113, %add3A_133 : i32
      %dma_start3A = arith.constant 0 : i32
      %dma_start3A_135 = arith.constant 0 : i32
      %dma_start3A_136 = arith.constant 0 : i32
      %dma_start3A_137 = arith.constant 0 : i32
      %dma_start3A_138 = tpu.memref_slice %arg8[%dma_start3A, %dma_start3A_135, %dma_start3A_136, %dma_start3A_137] : memref<5x4x8x768xf32, #tpu.memory_space<vmem>> -> memref<1x4x8x768xf32, #tpu.memory_space<vmem>>
      %dma_start3A_139 = tpu.memref_squeeze %dma_start3A_138 : memref<1x4x8x768xf32, #tpu.memory_space<vmem>> -> memref<4x8x768xf32, #tpu.memory_space<vmem>>
      %dma_start3A_140 = arith.constant 0 : i32
      %dma_start3A_141 = tpu.memref_slice %arg7[%add3A_134, %dma_start3A_140] : memref<40x4xi32, #tpu.memory_space<vmem>> -> memref<1x4xi32, #tpu.memory_space<vmem>>
      %dma_start3A_142 = tpu.memref_squeeze %dma_start3A_141 : memref<1x4xi32, #tpu.memory_space<vmem>> -> memref<4xi32, #tpu.memory_space<vmem>>
      %dma_start3A_143 = arith.constant 0 : i32
      %dma_start3A_144 = arith.constant 0 : i32
      %dma_start3A_145 = arith.constant 0 : i32
      %dma_start3A_146 = tpu.memref_slice %arg5[%dma_start3A_143, %dma_start3A_144, %dma_start3A_145] : memref<10000x8x768xf32, #tpu.memory_space<hbm>> -> memref<10000x8x768xf32, #tpu.memory_space<hbm>>
      tpu.enqueue_indirect_dma source(%dma_start3A_146 : memref<10000x8x768xf32, #tpu.memory_space<hbm>>) target(%dma_start3A_139 : memref<4x8x768xf32, #tpu.memory_space<vmem>>) offsets(%dma_start3A_142 : memref<4xi32, #tpu.memory_space<vmem>>) semaphore(%arg9 : memref<!tpu.dma_semaphore, #tpu.memory_space<semaphore_mem>>)
      %add3A_147 = arith.constant 0 : i32
      %add3A_148 = arith.addi %mul3A_2, %add3A_147 : i32
      %dma_wait3A_149 = arith.constant 1 : i32
      %dma_wait3A_150 = arith.constant 0 : i32
      %dma_wait3A_151 = arith.constant 0 : i32
      %dma_wait3A_152 = arith.constant 0 : i32
      %dma_wait3A_153 = tpu.memref_slice %arg8[%dma_wait3A_149, %dma_wait3A_150, %dma_wait3A_151, %dma_wait3A_152] : memref<5x4x8x768xf32, #tpu.memory_space<vmem>> -> memref<1x4x8x768xf32, #tpu.memory_space<vmem>>
      %dma_wait3A_154 = tpu.memref_squeeze %dma_wait3A_153 : memref<1x4x8x768xf32, #tpu.memory_space<vmem>> -> memref<4x8x768xf32, #tpu.memory_space<vmem>>
      %dma_wait3A_155 = arith.constant 16 : i32
      %dma_wait3A_156 = arith.constant 0 : i32
      %dma_wait3A_157 = tpu.memref_slice %arg6[%add3A_148, %dma_wait3A_155, %dma_wait3A_156] : memref<5120x24x768xf32, #tpu.memory_space<hbm>> -> memref<4x8x768xf32, #tpu.memory_space<hbm>>
      %dma_wait3A_158 = arith.constant 16 : i32
      %dma_wait3A_159 = arith.constant 0 : i32
      %dma_wait3A_160 = tpu.memref_slice %arg6[%add3A_148, %dma_wait3A_158, %dma_wait3A_159] : memref<5120x24x768xf32, #tpu.memory_space<hbm>> -> memref<4x8x768xf32, #tpu.memory_space<hbm>>
      %dma_wait3A_161 = arith.constant 0 : i32
      %dma_wait3A_162 = arith.constant 0 : i32
      %dma_wait3A_163 = arith.constant 0 : i32
      %dma_wait3A_164 = tpu.memref_slice %arg8[%dma_wait3A_149, %dma_wait3A_161, %dma_wait3A_162, %dma_wait3A_163] : memref<5x4x8x768xf32, #tpu.memory_space<vmem>> -> memref<1x4x8x768xf32, #tpu.memory_space<vmem>>
      %dma_wait3A_165 = tpu.memref_squeeze %dma_wait3A_164 : memref<1x4x8x768xf32, #tpu.memory_space<vmem>> -> memref<4x8x768xf32, #tpu.memory_space<vmem>>
      tpu.wait_dma2 semaphore(%arg10 : memref<!tpu.dma_semaphore, #tpu.memory_space<semaphore_mem>>) src(%dma_wait3A_165 : memref<4x8x768xf32, #tpu.memory_space<vmem>>) dst(%dma_wait3A_160 : memref<4x8x768xf32, #tpu.memory_space<hbm>>)
      %add3A_166 = arith.constant 1 : i32
      %add3A_167 = arith.addi %mul3A_113, %add3A_166 : i32
      %dma_start3A_168 = arith.constant 1 : i32
      %dma_start3A_169 = arith.constant 0 : i32
      %dma_start3A_170 = arith.constant 0 : i32
      %dma_start3A_171 = arith.constant 0 : i32
      %dma_start3A_172 = tpu.memref_slice %arg8[%dma_start3A_168, %dma_start3A_169, %dma_start3A_170, %dma_start3A_171] : memref<5x4x8x768xf32, #tpu.memory_space<vmem>> -> memref<1x4x8x768xf32, #tpu.memory_space<vmem>>
      %dma_start3A_173 = tpu.memref_squeeze %dma_start3A_172 : memref<1x4x8x768xf32, #tpu.memory_space<vmem>> -> memref<4x8x768xf32, #tpu.memory_space<vmem>>
      %dma_start3A_174 = arith.constant 0 : i32
      %dma_start3A_175 = tpu.memref_slice %arg7[%add3A_167, %dma_start3A_174] : memref<40x4xi32, #tpu.memory_space<vmem>> -> memref<1x4xi32, #tpu.memory_space<vmem>>
      %dma_start3A_176 = tpu.memref_squeeze %dma_start3A_175 : memref<1x4xi32, #tpu.memory_space<vmem>> -> memref<4xi32, #tpu.memory_space<vmem>>
      %dma_start3A_177 = arith.constant 0 : i32
      %dma_start3A_178 = arith.constant 0 : i32
      %dma_start3A_179 = arith.constant 0 : i32
      %dma_start3A_180 = tpu.memref_slice %arg5[%dma_start3A_177, %dma_start3A_178, %dma_start3A_179] : memref<10000x8x768xf32, #tpu.memory_space<hbm>> -> memref<10000x8x768xf32, #tpu.memory_space<hbm>>
      tpu.enqueue_indirect_dma source(%dma_start3A_180 : memref<10000x8x768xf32, #tpu.memory_space<hbm>>) target(%dma_start3A_173 : memref<4x8x768xf32, #tpu.memory_space<vmem>>) offsets(%dma_start3A_176 : memref<4xi32, #tpu.memory_space<vmem>>) semaphore(%arg9 : memref<!tpu.dma_semaphore, #tpu.memory_space<semaphore_mem>>)
      %add3A_181 = arith.constant 0 : i32
      %add3A_182 = arith.addi %mul3A_2, %add3A_181 : i32
      %dma_wait3A_183 = arith.constant 2 : i32
      %dma_wait3A_184 = arith.constant 0 : i32
      %dma_wait3A_185 = arith.constant 0 : i32
      %dma_wait3A_186 = arith.constant 0 : i32
      %dma_wait3A_187 = tpu.memref_slice %arg8[%dma_wait3A_183, %dma_wait3A_184, %dma_wait3A_185, %dma_wait3A_186] : memref<5x4x8x768xf32, #tpu.memory_space<vmem>> -> memref<1x4x8x768xf32, #tpu.memory_space<vmem>>
      %dma_wait3A_188 = tpu.memref_squeeze %dma_wait3A_187 : memref<1x4x8x768xf32, #tpu.memory_space<vmem>> -> memref<4x8x768xf32, #tpu.memory_space<vmem>>
      %dma_wait3A_189 = arith.constant 16 : i32
      %dma_wait3A_190 = arith.constant 0 : i32
      %dma_wait3A_191 = tpu.memref_slice %arg6[%add3A_182, %dma_wait3A_189, %dma_wait3A_190] : memref<5120x24x768xf32, #tpu.memory_space<hbm>> -> memref<4x8x768xf32, #tpu.memory_space<hbm>>
      %dma_wait3A_192 = arith.constant 16 : i32
      %dma_wait3A_193 = arith.constant 0 : i32
      %dma_wait3A_194 = tpu.memref_slice %arg6[%add3A_182, %dma_wait3A_192, %dma_wait3A_193] : memref<5120x24x768xf32, #tpu.memory_space<hbm>> -> memref<4x8x768xf32, #tpu.memory_space<hbm>>
      %dma_wait3A_195 = arith.constant 0 : i32
      %dma_wait3A_196 = arith.constant 0 : i32
      %dma_wait3A_197 = arith.constant 0 : i32
      %dma_wait3A_198 = tpu.memref_slice %arg8[%dma_wait3A_183, %dma_wait3A_195, %dma_wait3A_196, %dma_wait3A_197] : memref<5x4x8x768xf32, #tpu.memory_space<vmem>> -> memref<1x4x8x768xf32, #tpu.memory_space<vmem>>
      %dma_wait3A_199 = tpu.memref_squeeze %dma_wait3A_198 : memref<1x4x8x768xf32, #tpu.memory_space<vmem>> -> memref<4x8x768xf32, #tpu.memory_space<vmem>>
      tpu.wait_dma2 semaphore(%arg10 : memref<!tpu.dma_semaphore, #tpu.memory_space<semaphore_mem>>) src(%dma_wait3A_199 : memref<4x8x768xf32, #tpu.memory_space<vmem>>) dst(%dma_wait3A_194 : memref<4x8x768xf32, #tpu.memory_space<hbm>>)
      %add3A_200 = arith.constant 2 : i32
      %add3A_201 = arith.addi %mul3A_113, %add3A_200 : i32
      %dma_start3A_202 = arith.constant 2 : i32
      %dma_start3A_203 = arith.constant 0 : i32
      %dma_start3A_204 = arith.constant 0 : i32
      %dma_start3A_205 = arith.constant 0 : i32
      %dma_start3A_206 = tpu.memref_slice %arg8[%dma_start3A_202, %dma_start3A_203, %dma_start3A_204, %dma_start3A_205] : memref<5x4x8x768xf32, #tpu.memory_space<vmem>> -> memref<1x4x8x768xf32, #tpu.memory_space<vmem>>
      %dma_start3A_207 = tpu.memref_squeeze %dma_start3A_206 : memref<1x4x8x768xf32, #tpu.memory_space<vmem>> -> memref<4x8x768xf32, #tpu.memory_space<vmem>>
      %dma_start3A_208 = arith.constant 0 : i32
      %dma_start3A_209 = tpu.memref_slice %arg7[%add3A_201, %dma_start3A_208] : memref<40x4xi32, #tpu.memory_space<vmem>> -> memref<1x4xi32, #tpu.memory_space<vmem>>
      %dma_start3A_210 = tpu.memref_squeeze %dma_start3A_209 : memref<1x4xi32, #tpu.memory_space<vmem>> -> memref<4xi32, #tpu.memory_space<vmem>>
      %dma_start3A_211 = arith.constant 0 : i32
      %dma_start3A_212 = arith.constant 0 : i32
      %dma_start3A_213 = arith.constant 0 : i32
      %dma_start3A_214 = tpu.memref_slice %arg5[%dma_start3A_211, %dma_start3A_212, %dma_start3A_213] : memref<10000x8x768xf32, #tpu.memory_space<hbm>> -> memref<10000x8x768xf32, #tpu.memory_space<hbm>>
      tpu.enqueue_indirect_dma source(%dma_start3A_214 : memref<10000x8x768xf32, #tpu.memory_space<hbm>>) target(%dma_start3A_207 : memref<4x8x768xf32, #tpu.memory_space<vmem>>) offsets(%dma_start3A_210 : memref<4xi32, #tpu.memory_space<vmem>>) semaphore(%arg9 : memref<!tpu.dma_semaphore, #tpu.memory_space<semaphore_mem>>)
      %add3A_215 = arith.constant 0 : i32
      %add3A_216 = arith.addi %mul3A_2, %add3A_215 : i32
      %dma_wait3A_217 = arith.constant 3 : i32
      %dma_wait3A_218 = arith.constant 0 : i32
      %dma_wait3A_219 = arith.constant 0 : i32
      %dma_wait3A_220 = arith.constant 0 : i32
      %dma_wait3A_221 = tpu.memref_slice %arg8[%dma_wait3A_217, %dma_wait3A_218, %dma_wait3A_219, %dma_wait3A_220] : memref<5x4x8x768xf32, #tpu.memory_space<vmem>> -> memref<1x4x8x768xf32, #tpu.memory_space<vmem>>
      %dma_wait3A_222 = tpu.memref_squeeze %dma_wait3A_221 : memref<1x4x8x768xf32, #tpu.memory_space<vmem>> -> memref<4x8x768xf32, #tpu.memory_space<vmem>>
      %dma_wait3A_223 = arith.constant 16 : i32
      %dma_wait3A_224 = arith.constant 0 : i32
      %dma_wait3A_225 = tpu.memref_slice %arg6[%add3A_216, %dma_wait3A_223, %dma_wait3A_224] : memref<5120x24x768xf32, #tpu.memory_space<hbm>> -> memref<4x8x768xf32, #tpu.memory_space<hbm>>
      %dma_wait3A_226 = arith.constant 16 : i32
      %dma_wait3A_227 = arith.constant 0 : i32
      %dma_wait3A_228 = tpu.memref_slice %arg6[%add3A_216, %dma_wait3A_226, %dma_wait3A_227] : memref<5120x24x768xf32, #tpu.memory_space<hbm>> -> memref<4x8x768xf32, #tpu.memory_space<hbm>>
      %dma_wait3A_229 = arith.constant 0 : i32
      %dma_wait3A_230 = arith.constant 0 : i32
      %dma_wait3A_231 = arith.constant 0 : i32
      %dma_wait3A_232 = tpu.memref_slice %arg8[%dma_wait3A_217, %dma_wait3A_229, %dma_wait3A_230, %dma_wait3A_231] : memref<5x4x8x768xf32, #tpu.memory_space<vmem>> -> memref<1x4x8x768xf32, #tpu.memory_space<vmem>>
      %dma_wait3A_233 = tpu.memref_squeeze %dma_wait3A_232 : memref<1x4x8x768xf32, #tpu.memory_space<vmem>> -> memref<4x8x768xf32, #tpu.memory_space<vmem>>
      tpu.wait_dma2 semaphore(%arg10 : memref<!tpu.dma_semaphore, #tpu.memory_space<semaphore_mem>>) src(%dma_wait3A_233 : memref<4x8x768xf32, #tpu.memory_space<vmem>>) dst(%dma_wait3A_228 : memref<4x8x768xf32, #tpu.memory_space<hbm>>)
      %add3A_234 = arith.constant 3 : i32
      %add3A_235 = arith.addi %mul3A_113, %add3A_234 : i32
      %dma_start3A_236 = arith.constant 3 : i32
      %dma_start3A_237 = arith.constant 0 : i32
      %dma_start3A_238 = arith.constant 0 : i32
      %dma_start3A_239 = arith.constant 0 : i32
      %dma_start3A_240 = tpu.memref_slice %arg8[%dma_start3A_236, %dma_start3A_237, %dma_start3A_238, %dma_start3A_239] : memref<5x4x8x768xf32, #tpu.memory_space<vmem>> -> memref<1x4x8x768xf32, #tpu.memory_space<vmem>>
      %dma_start3A_241 = tpu.memref_squeeze %dma_start3A_240 : memref<1x4x8x768xf32, #tpu.memory_space<vmem>> -> memref<4x8x768xf32, #tpu.memory_space<vmem>>
      %dma_start3A_242 = arith.constant 0 : i32
      %dma_start3A_243 = tpu.memref_slice %arg7[%add3A_235, %dma_start3A_242] : memref<40x4xi32, #tpu.memory_space<vmem>> -> memref<1x4xi32, #tpu.memory_space<vmem>>
      %dma_start3A_244 = tpu.memref_squeeze %dma_start3A_243 : memref<1x4xi32, #tpu.memory_space<vmem>> -> memref<4xi32, #tpu.memory_space<vmem>>
      %dma_start3A_245 = arith.constant 0 : i32
      %dma_start3A_246 = arith.constant 0 : i32
      %dma_start3A_247 = arith.constant 0 : i32
      %dma_start3A_248 = tpu.memref_slice %arg5[%dma_start3A_245, %dma_start3A_246, %dma_start3A_247] : memref<10000x8x768xf32, #tpu.memory_space<hbm>> -> memref<10000x8x768xf32, #tpu.memory_space<hbm>>
      tpu.enqueue_indirect_dma source(%dma_start3A_248 : memref<10000x8x768xf32, #tpu.memory_space<hbm>>) target(%dma_start3A_241 : memref<4x8x768xf32, #tpu.memory_space<vmem>>) offsets(%dma_start3A_244 : memref<4xi32, #tpu.memory_space<vmem>>) semaphore(%arg9 : memref<!tpu.dma_semaphore, #tpu.memory_space<semaphore_mem>>)
      %add3A_249 = arith.constant 0 : i32
      %add3A_250 = arith.addi %mul3A_2, %add3A_249 : i32
      %dma_wait3A_251 = arith.constant 4 : i32
      %dma_wait3A_252 = arith.constant 0 : i32
      %dma_wait3A_253 = arith.constant 0 : i32
      %dma_wait3A_254 = arith.constant 0 : i32
      %dma_wait3A_255 = tpu.memref_slice %arg8[%dma_wait3A_251, %dma_wait3A_252, %dma_wait3A_253, %dma_wait3A_254] : memref<5x4x8x768xf32, #tpu.memory_space<vmem>> -> memref<1x4x8x768xf32, #tpu.memory_space<vmem>>
      %dma_wait3A_256 = tpu.memref_squeeze %dma_wait3A_255 : memref<1x4x8x768xf32, #tpu.memory_space<vmem>> -> memref<4x8x768xf32, #tpu.memory_space<vmem>>
      %dma_wait3A_257 = arith.constant 16 : i32
      %dma_wait3A_258 = arith.constant 0 : i32
      %dma_wait3A_259 = tpu.memref_slice %arg6[%add3A_250, %dma_wait3A_257, %dma_wait3A_258] : memref<5120x24x768xf32, #tpu.memory_space<hbm>> -> memref<4x8x768xf32, #tpu.memory_space<hbm>>
      %dma_wait3A_260 = arith.constant 16 : i32
      %dma_wait3A_261 = arith.constant 0 : i32
      %dma_wait3A_262 = tpu.memref_slice %arg6[%add3A_250, %dma_wait3A_260, %dma_wait3A_261] : memref<5120x24x768xf32, #tpu.memory_space<hbm>> -> memref<4x8x768xf32, #tpu.memory_space<hbm>>
      %dma_wait3A_263 = arith.constant 0 : i32
      %dma_wait3A_264 = arith.constant 0 : i32
      %dma_wait3A_265 = arith.constant 0 : i32
      %dma_wait3A_266 = tpu.memref_slice %arg8[%dma_wait3A_251, %dma_wait3A_263, %dma_wait3A_264, %dma_wait3A_265] : memref<5x4x8x768xf32, #tpu.memory_space<vmem>> -> memref<1x4x8x768xf32, #tpu.memory_space<vmem>>
      %dma_wait3A_267 = tpu.memref_squeeze %dma_wait3A_266 : memref<1x4x8x768xf32, #tpu.memory_space<vmem>> -> memref<4x8x768xf32, #tpu.memory_space<vmem>>
      tpu.wait_dma2 semaphore(%arg10 : memref<!tpu.dma_semaphore, #tpu.memory_space<semaphore_mem>>) src(%dma_wait3A_267 : memref<4x8x768xf32, #tpu.memory_space<vmem>>) dst(%dma_wait3A_262 : memref<4x8x768xf32, #tpu.memory_space<hbm>>)
      %add3A_268 = arith.constant 4 : i32
      %add3A_269 = arith.addi %mul3A_113, %add3A_268 : i32
      %dma_start3A_270 = arith.constant 4 : i32
      %dma_start3A_271 = arith.constant 0 : i32
      %dma_start3A_272 = arith.constant 0 : i32
      %dma_start3A_273 = arith.constant 0 : i32
      %dma_start3A_274 = tpu.memref_slice %arg8[%dma_start3A_270, %dma_start3A_271, %dma_start3A_272, %dma_start3A_273] : memref<5x4x8x768xf32, #tpu.memory_space<vmem>> -> memref<1x4x8x768xf32, #tpu.memory_space<vmem>>
      %dma_start3A_275 = tpu.memref_squeeze %dma_start3A_274 : memref<1x4x8x768xf32, #tpu.memory_space<vmem>> -> memref<4x8x768xf32, #tpu.memory_space<vmem>>
      %dma_start3A_276 = arith.constant 0 : i32
      %dma_start3A_277 = tpu.memref_slice %arg7[%add3A_269, %dma_start3A_276] : memref<40x4xi32, #tpu.memory_space<vmem>> -> memref<1x4xi32, #tpu.memory_space<vmem>>
      %dma_start3A_278 = tpu.memref_squeeze %dma_start3A_277 : memref<1x4xi32, #tpu.memory_space<vmem>> -> memref<4xi32, #tpu.memory_space<vmem>>
      %dma_start3A_279 = arith.constant 0 : i32
      %dma_start3A_280 = arith.constant 0 : i32
      %dma_start3A_281 = arith.constant 0 : i32
      %dma_start3A_282 = tpu.memref_slice %arg5[%dma_start3A_279, %dma_start3A_280, %dma_start3A_281] : memref<10000x8x768xf32, #tpu.memory_space<hbm>> -> memref<10000x8x768xf32, #tpu.memory_space<hbm>>
      tpu.enqueue_indirect_dma source(%dma_start3A_282 : memref<10000x8x768xf32, #tpu.memory_space<hbm>>) target(%dma_start3A_275 : memref<4x8x768xf32, #tpu.memory_space<vmem>>) offsets(%dma_start3A_278 : memref<4xi32, #tpu.memory_space<vmem>>) semaphore(%arg9 : memref<!tpu.dma_semaphore, #tpu.memory_space<semaphore_mem>>)
      %dma_wait3A_283 = arith.constant 0 : i32
      %dma_wait3A_284 = arith.constant 0 : i32
      %dma_wait3A_285 = arith.constant 0 : i32
      %dma_wait3A_286 = arith.constant 0 : i32
      %dma_wait3A_287 = tpu.memref_slice %arg8[%dma_wait3A_283, %dma_wait3A_284, %dma_wait3A_285, %dma_wait3A_286] : memref<5x4x8x768xf32, #tpu.memory_space<vmem>> -> memref<1x4x8x768xf32, #tpu.memory_space<vmem>>
      %dma_wait3A_288 = tpu.memref_squeeze %dma_wait3A_287 : memref<1x4x8x768xf32, #tpu.memory_space<vmem>> -> memref<4x8x768xf32, #tpu.memory_space<vmem>>
      %dma_wait3A_289 = arith.constant 0 : i32
      %dma_wait3A_290 = tpu.memref_slice %arg7[%add3A_134, %dma_wait3A_289] : memref<40x4xi32, #tpu.memory_space<vmem>> -> memref<1x4xi32, #tpu.memory_space<vmem>>
      %dma_wait3A_291 = tpu.memref_squeeze %dma_wait3A_290 : memref<1x4xi32, #tpu.memory_space<vmem>> -> memref<4xi32, #tpu.memory_space<vmem>>
      %dma_wait3A_292 = arith.constant 0 : i32
      %dma_wait3A_293 = arith.constant 0 : i32
      %dma_wait3A_294 = arith.constant 0 : i32
      %dma_wait3A_295 = tpu.memref_slice %arg5[%dma_wait3A_292, %dma_wait3A_293, %dma_wait3A_294] : memref<10000x8x768xf32, #tpu.memory_space<hbm>> -> memref<10000x8x768xf32, #tpu.memory_space<hbm>>
      tpu.wait_indirect_dma semaphore(%arg9 : memref<!tpu.dma_semaphore, #tpu.memory_space<semaphore_mem>>) src(%dma_wait3A_295 : memref<10000x8x768xf32, #tpu.memory_space<hbm>>) dst(%dma_wait3A_288 : memref<4x8x768xf32, #tpu.memory_space<vmem>>)
      %add3A_296 = arith.constant 0 : i32
      %add3A_297 = arith.addi %mul3A_113, %add3A_296 : i32
      %mul3A_298 = arith.constant 4 : i32
      %mul3A_299 = arith.muli %add3A_297, %mul3A_298 : i32
      %add3A_300 = arith.addi %mul3A_2, %mul3A_299 : i32
      %dma_start3A_301 = arith.constant 0 : i32
      %dma_start3A_302 = arith.constant 0 : i32
      %dma_start3A_303 = arith.constant 0 : i32
      %dma_start3A_304 = arith.constant 0 : i32
      %dma_start3A_305 = tpu.memref_slice %arg8[%dma_start3A_301, %dma_start3A_302, %dma_start3A_303, %dma_start3A_304] : memref<5x4x8x768xf32, #tpu.memory_space<vmem>> -> memref<1x4x8x768xf32, #tpu.memory_space<vmem>>
      %dma_start3A_306 = tpu.memref_squeeze %dma_start3A_305 : memref<1x4x8x768xf32, #tpu.memory_space<vmem>> -> memref<4x8x768xf32, #tpu.memory_space<vmem>>
      %dma_start3A_307 = arith.constant 16 : i32
      %dma_start3A_308 = arith.constant 0 : i32
      %dma_start3A_309 = tpu.memref_slice %arg6[%add3A_300, %dma_start3A_307, %dma_start3A_308] : memref<5120x24x768xf32, #tpu.memory_space<hbm>> -> memref<4x8x768xf32, #tpu.memory_space<hbm>>
      %dma_start3A_310 = arith.constant 16 : i32
      %dma_start3A_311 = arith.constant 0 : i32
      %dma_start3A_312 = tpu.memref_slice %arg6[%add3A_300, %dma_start3A_310, %dma_start3A_311] : memref<5120x24x768xf32, #tpu.memory_space<hbm>> -> memref<4x8x768xf32, #tpu.memory_space<hbm>>
      %dma_start3A_313 = arith.constant 0 : i32
      %dma_start3A_314 = arith.constant 0 : i32
      %dma_start3A_315 = arith.constant 0 : i32
      %dma_start3A_316 = tpu.memref_slice %arg8[%dma_start3A_301, %dma_start3A_313, %dma_start3A_314, %dma_start3A_315] : memref<5x4x8x768xf32, #tpu.memory_space<vmem>> -> memref<1x4x8x768xf32, #tpu.memory_space<vmem>>
      %dma_start3A_317 = tpu.memref_squeeze %dma_start3A_316 : memref<1x4x8x768xf32, #tpu.memory_space<vmem>> -> memref<4x8x768xf32, #tpu.memory_space<vmem>>
      tpu.enqueue_dma source(%dma_start3A_317 : memref<4x8x768xf32, #tpu.memory_space<vmem>>) target(%dma_start3A_312 : memref<4x8x768xf32, #tpu.memory_space<hbm>>) target_semaphore(%arg10 : memref<!tpu.dma_semaphore, #tpu.memory_space<semaphore_mem>>)
      %dma_wait3A_318 = arith.constant 1 : i32
      %dma_wait3A_319 = arith.constant 0 : i32
      %dma_wait3A_320 = arith.constant 0 : i32
      %dma_wait3A_321 = arith.constant 0 : i32
      %dma_wait3A_322 = tpu.memref_slice %arg8[%dma_wait3A_318, %dma_wait3A_319, %dma_wait3A_320, %dma_wait3A_321] : memref<5x4x8x768xf32, #tpu.memory_space<vmem>> -> memref<1x4x8x768xf32, #tpu.memory_space<vmem>>
      %dma_wait3A_323 = tpu.memref_squeeze %dma_wait3A_322 : memref<1x4x8x768xf32, #tpu.memory_space<vmem>> -> memref<4x8x768xf32, #tpu.memory_space<vmem>>
      %dma_wait3A_324 = arith.constant 0 : i32
      %dma_wait3A_325 = tpu.memref_slice %arg7[%add3A_167, %dma_wait3A_324] : memref<40x4xi32, #tpu.memory_space<vmem>> -> memref<1x4xi32, #tpu.memory_space<vmem>>
      %dma_wait3A_326 = tpu.memref_squeeze %dma_wait3A_325 : memref<1x4xi32, #tpu.memory_space<vmem>> -> memref<4xi32, #tpu.memory_space<vmem>>
      %dma_wait3A_327 = arith.constant 0 : i32
      %dma_wait3A_328 = arith.constant 0 : i32
      %dma_wait3A_329 = arith.constant 0 : i32
      %dma_wait3A_330 = tpu.memref_slice %arg5[%dma_wait3A_327, %dma_wait3A_328, %dma_wait3A_329] : memref<10000x8x768xf32, #tpu.memory_space<hbm>> -> memref<10000x8x768xf32, #tpu.memory_space<hbm>>
      tpu.wait_indirect_dma semaphore(%arg9 : memref<!tpu.dma_semaphore, #tpu.memory_space<semaphore_mem>>) src(%dma_wait3A_330 : memref<10000x8x768xf32, #tpu.memory_space<hbm>>) dst(%dma_wait3A_323 : memref<4x8x768xf32, #tpu.memory_space<vmem>>)
      %add3A_331 = arith.constant 1 : i32
      %add3A_332 = arith.addi %mul3A_113, %add3A_331 : i32
      %mul3A_333 = arith.constant 4 : i32
      %mul3A_334 = arith.muli %add3A_332, %mul3A_333 : i32
      %add3A_335 = arith.addi %mul3A_2, %mul3A_334 : i32
      %dma_start3A_336 = arith.constant 1 : i32
      %dma_start3A_337 = arith.constant 0 : i32
      %dma_start3A_338 = arith.constant 0 : i32
      %dma_start3A_339 = arith.constant 0 : i32
      %dma_start3A_340 = tpu.memref_slice %arg8[%dma_start3A_336, %dma_start3A_337, %dma_start3A_338, %dma_start3A_339] : memref<5x4x8x768xf32, #tpu.memory_space<vmem>> -> memref<1x4x8x768xf32, #tpu.memory_space<vmem>>
      %dma_start3A_341 = tpu.memref_squeeze %dma_start3A_340 : memref<1x4x8x768xf32, #tpu.memory_space<vmem>> -> memref<4x8x768xf32, #tpu.memory_space<vmem>>
      %dma_start3A_342 = arith.constant 16 : i32
      %dma_start3A_343 = arith.constant 0 : i32
      %dma_start3A_344 = tpu.memref_slice %arg6[%add3A_335, %dma_start3A_342, %dma_start3A_343] : memref<5120x24x768xf32, #tpu.memory_space<hbm>> -> memref<4x8x768xf32, #tpu.memory_space<hbm>>
      %dma_start3A_345 = arith.constant 16 : i32
      %dma_start3A_346 = arith.constant 0 : i32
      %dma_start3A_347 = tpu.memref_slice %arg6[%add3A_335, %dma_start3A_345, %dma_start3A_346] : memref<5120x24x768xf32, #tpu.memory_space<hbm>> -> memref<4x8x768xf32, #tpu.memory_space<hbm>>
      %dma_start3A_348 = arith.constant 0 : i32
      %dma_start3A_349 = arith.constant 0 : i32
      %dma_start3A_350 = arith.constant 0 : i32
      %dma_start3A_351 = tpu.memref_slice %arg8[%dma_start3A_336, %dma_start3A_348, %dma_start3A_349, %dma_start3A_350] : memref<5x4x8x768xf32, #tpu.memory_space<vmem>> -> memref<1x4x8x768xf32, #tpu.memory_space<vmem>>
      %dma_start3A_352 = tpu.memref_squeeze %dma_start3A_351 : memref<1x4x8x768xf32, #tpu.memory_space<vmem>> -> memref<4x8x768xf32, #tpu.memory_space<vmem>>
      tpu.enqueue_dma source(%dma_start3A_352 : memref<4x8x768xf32, #tpu.memory_space<vmem>>) target(%dma_start3A_347 : memref<4x8x768xf32, #tpu.memory_space<hbm>>) target_semaphore(%arg10 : memref<!tpu.dma_semaphore, #tpu.memory_space<semaphore_mem>>)
      %dma_wait3A_353 = arith.constant 2 : i32
      %dma_wait3A_354 = arith.constant 0 : i32
      %dma_wait3A_355 = arith.constant 0 : i32
      %dma_wait3A_356 = arith.constant 0 : i32
      %dma_wait3A_357 = tpu.memref_slice %arg8[%dma_wait3A_353, %dma_wait3A_354, %dma_wait3A_355, %dma_wait3A_356] : memref<5x4x8x768xf32, #tpu.memory_space<vmem>> -> memref<1x4x8x768xf32, #tpu.memory_space<vmem>>
      %dma_wait3A_358 = tpu.memref_squeeze %dma_wait3A_357 : memref<1x4x8x768xf32, #tpu.memory_space<vmem>> -> memref<4x8x768xf32, #tpu.memory_space<vmem>>
      %dma_wait3A_359 = arith.constant 0 : i32
      %dma_wait3A_360 = tpu.memref_slice %arg7[%add3A_201, %dma_wait3A_359] : memref<40x4xi32, #tpu.memory_space<vmem>> -> memref<1x4xi32, #tpu.memory_space<vmem>>
      %dma_wait3A_361 = tpu.memref_squeeze %dma_wait3A_360 : memref<1x4xi32, #tpu.memory_space<vmem>> -> memref<4xi32, #tpu.memory_space<vmem>>
      %dma_wait3A_362 = arith.constant 0 : i32
      %dma_wait3A_363 = arith.constant 0 : i32
      %dma_wait3A_364 = arith.constant 0 : i32
      %dma_wait3A_365 = tpu.memref_slice %arg5[%dma_wait3A_362, %dma_wait3A_363, %dma_wait3A_364] : memref<10000x8x768xf32, #tpu.memory_space<hbm>> -> memref<10000x8x768xf32, #tpu.memory_space<hbm>>
      tpu.wait_indirect_dma semaphore(%arg9 : memref<!tpu.dma_semaphore, #tpu.memory_space<semaphore_mem>>) src(%dma_wait3A_365 : memref<10000x8x768xf32, #tpu.memory_space<hbm>>) dst(%dma_wait3A_358 : memref<4x8x768xf32, #tpu.memory_space<vmem>>)
      %add3A_366 = arith.constant 2 : i32
      %add3A_367 = arith.addi %mul3A_113, %add3A_366 : i32
      %mul3A_368 = arith.constant 4 : i32
      %mul3A_369 = arith.muli %add3A_367, %mul3A_368 : i32
      %add3A_370 = arith.addi %mul3A_2, %mul3A_369 : i32
      %dma_start3A_371 = arith.constant 2 : i32
      %dma_start3A_372 = arith.constant 0 : i32
      %dma_start3A_373 = arith.constant 0 : i32
      %dma_start3A_374 = arith.constant 0 : i32
      %dma_start3A_375 = tpu.memref_slice %arg8[%dma_start3A_371, %dma_start3A_372, %dma_start3A_373, %dma_start3A_374] : memref<5x4x8x768xf32, #tpu.memory_space<vmem>> -> memref<1x4x8x768xf32, #tpu.memory_space<vmem>>
      %dma_start3A_376 = tpu.memref_squeeze %dma_start3A_375 : memref<1x4x8x768xf32, #tpu.memory_space<vmem>> -> memref<4x8x768xf32, #tpu.memory_space<vmem>>
      %dma_start3A_377 = arith.constant 16 : i32
      %dma_start3A_378 = arith.constant 0 : i32
      %dma_start3A_379 = tpu.memref_slice %arg6[%add3A_370, %dma_start3A_377, %dma_start3A_378] : memref<5120x24x768xf32, #tpu.memory_space<hbm>> -> memref<4x8x768xf32, #tpu.memory_space<hbm>>
      %dma_start3A_380 = arith.constant 16 : i32
      %dma_start3A_381 = arith.constant 0 : i32
      %dma_start3A_382 = tpu.memref_slice %arg6[%add3A_370, %dma_start3A_380, %dma_start3A_381] : memref<5120x24x768xf32, #tpu.memory_space<hbm>> -> memref<4x8x768xf32, #tpu.memory_space<hbm>>
      %dma_start3A_383 = arith.constant 0 : i32
      %dma_start3A_384 = arith.constant 0 : i32
      %dma_start3A_385 = arith.constant 0 : i32
      %dma_start3A_386 = tpu.memref_slice %arg8[%dma_start3A_371, %dma_start3A_383, %dma_start3A_384, %dma_start3A_385] : memref<5x4x8x768xf32, #tpu.memory_space<vmem>> -> memref<1x4x8x768xf32, #tpu.memory_space<vmem>>
      %dma_start3A_387 = tpu.memref_squeeze %dma_start3A_386 : memref<1x4x8x768xf32, #tpu.memory_space<vmem>> -> memref<4x8x768xf32, #tpu.memory_space<vmem>>
      tpu.enqueue_dma source(%dma_start3A_387 : memref<4x8x768xf32, #tpu.memory_space<vmem>>) target(%dma_start3A_382 : memref<4x8x768xf32, #tpu.memory_space<hbm>>) target_semaphore(%arg10 : memref<!tpu.dma_semaphore, #tpu.memory_space<semaphore_mem>>)
      %dma_wait3A_388 = arith.constant 3 : i32
      %dma_wait3A_389 = arith.constant 0 : i32
      %dma_wait3A_390 = arith.constant 0 : i32
      %dma_wait3A_391 = arith.constant 0 : i32
      %dma_wait3A_392 = tpu.memref_slice %arg8[%dma_wait3A_388, %dma_wait3A_389, %dma_wait3A_390, %dma_wait3A_391] : memref<5x4x8x768xf32, #tpu.memory_space<vmem>> -> memref<1x4x8x768xf32, #tpu.memory_space<vmem>>
      %dma_wait3A_393 = tpu.memref_squeeze %dma_wait3A_392 : memref<1x4x8x768xf32, #tpu.memory_space<vmem>> -> memref<4x8x768xf32, #tpu.memory_space<vmem>>
      %dma_wait3A_394 = arith.constant 0 : i32
      %dma_wait3A_395 = tpu.memref_slice %arg7[%add3A_235, %dma_wait3A_394] : memref<40x4xi32, #tpu.memory_space<vmem>> -> memref<1x4xi32, #tpu.memory_space<vmem>>
      %dma_wait3A_396 = tpu.memref_squeeze %dma_wait3A_395 : memref<1x4xi32, #tpu.memory_space<vmem>> -> memref<4xi32, #tpu.memory_space<vmem>>
      %dma_wait3A_397 = arith.constant 0 : i32
      %dma_wait3A_398 = arith.constant 0 : i32
      %dma_wait3A_399 = arith.constant 0 : i32
      %dma_wait3A_400 = tpu.memref_slice %arg5[%dma_wait3A_397, %dma_wait3A_398, %dma_wait3A_399] : memref<10000x8x768xf32, #tpu.memory_space<hbm>> -> memref<10000x8x768xf32, #tpu.memory_space<hbm>>
      tpu.wait_indirect_dma semaphore(%arg9 : memref<!tpu.dma_semaphore, #tpu.memory_space<semaphore_mem>>) src(%dma_wait3A_400 : memref<10000x8x768xf32, #tpu.memory_space<hbm>>) dst(%dma_wait3A_393 : memref<4x8x768xf32, #tpu.memory_space<vmem>>)
      %add3A_401 = arith.constant 3 : i32
      %add3A_402 = arith.addi %mul3A_113, %add3A_401 : i32
      %mul3A_403 = arith.constant 4 : i32
      %mul3A_404 = arith.muli %add3A_402, %mul3A_403 : i32
      %add3A_405 = arith.addi %mul3A_2, %mul3A_404 : i32
      %dma_start3A_406 = arith.constant 3 : i32
      %dma_start3A_407 = arith.constant 0 : i32
      %dma_start3A_408 = arith.constant 0 : i32
      %dma_start3A_409 = arith.constant 0 : i32
      %dma_start3A_410 = tpu.memref_slice %arg8[%dma_start3A_406, %dma_start3A_407, %dma_start3A_408, %dma_start3A_409] : memref<5x4x8x768xf32, #tpu.memory_space<vmem>> -> memref<1x4x8x768xf32, #tpu.memory_space<vmem>>
      %dma_start3A_411 = tpu.memref_squeeze %dma_start3A_410 : memref<1x4x8x768xf32, #tpu.memory_space<vmem>> -> memref<4x8x768xf32, #tpu.memory_space<vmem>>
      %dma_start3A_412 = arith.constant 16 : i32
      %dma_start3A_413 = arith.constant 0 : i32
      %dma_start3A_414 = tpu.memref_slice %arg6[%add3A_405, %dma_start3A_412, %dma_start3A_413] : memref<5120x24x768xf32, #tpu.memory_space<hbm>> -> memref<4x8x768xf32, #tpu.memory_space<hbm>>
      %dma_start3A_415 = arith.constant 16 : i32
      %dma_start3A_416 = arith.constant 0 : i32
      %dma_start3A_417 = tpu.memref_slice %arg6[%add3A_405, %dma_start3A_415, %dma_start3A_416] : memref<5120x24x768xf32, #tpu.memory_space<hbm>> -> memref<4x8x768xf32, #tpu.memory_space<hbm>>
      %dma_start3A_418 = arith.constant 0 : i32
      %dma_start3A_419 = arith.constant 0 : i32
      %dma_start3A_420 = arith.constant 0 : i32
      %dma_start3A_421 = tpu.memref_slice %arg8[%dma_start3A_406, %dma_start3A_418, %dma_start3A_419, %dma_start3A_420] : memref<5x4x8x768xf32, #tpu.memory_space<vmem>> -> memref<1x4x8x768xf32, #tpu.memory_space<vmem>>
      %dma_start3A_422 = tpu.memref_squeeze %dma_start3A_421 : memref<1x4x8x768xf32, #tpu.memory_space<vmem>> -> memref<4x8x768xf32, #tpu.memory_space<vmem>>
      tpu.enqueue_dma source(%dma_start3A_422 : memref<4x8x768xf32, #tpu.memory_space<vmem>>) target(%dma_start3A_417 : memref<4x8x768xf32, #tpu.memory_space<hbm>>) target_semaphore(%arg10 : memref<!tpu.dma_semaphore, #tpu.memory_space<semaphore_mem>>)
      %dma_wait3A_423 = arith.constant 4 : i32
      %dma_wait3A_424 = arith.constant 0 : i32
      %dma_wait3A_425 = arith.constant 0 : i32
      %dma_wait3A_426 = arith.constant 0 : i32
      %dma_wait3A_427 = tpu.memref_slice %arg8[%dma_wait3A_423, %dma_wait3A_424, %dma_wait3A_425, %dma_wait3A_426] : memref<5x4x8x768xf32, #tpu.memory_space<vmem>> -> memref<1x4x8x768xf32, #tpu.memory_space<vmem>>
      %dma_wait3A_428 = tpu.memref_squeeze %dma_wait3A_427 : memref<1x4x8x768xf32, #tpu.memory_space<vmem>> -> memref<4x8x768xf32, #tpu.memory_space<vmem>>
      %dma_wait3A_429 = arith.constant 0 : i32
      %dma_wait3A_430 = tpu.memref_slice %arg7[%add3A_269, %dma_wait3A_429] : memref<40x4xi32, #tpu.memory_space<vmem>> -> memref<1x4xi32, #tpu.memory_space<vmem>>
      %dma_wait3A_431 = tpu.memref_squeeze %dma_wait3A_430 : memref<1x4xi32, #tpu.memory_space<vmem>> -> memref<4xi32, #tpu.memory_space<vmem>>
      %dma_wait3A_432 = arith.constant 0 : i32
      %dma_wait3A_433 = arith.constant 0 : i32
      %dma_wait3A_434 = arith.constant 0 : i32
      %dma_wait3A_435 = tpu.memref_slice %arg5[%dma_wait3A_432, %dma_wait3A_433, %dma_wait3A_434] : memref<10000x8x768xf32, #tpu.memory_space<hbm>> -> memref<10000x8x768xf32, #tpu.memory_space<hbm>>
      tpu.wait_indirect_dma semaphore(%arg9 : memref<!tpu.dma_semaphore, #tpu.memory_space<semaphore_mem>>) src(%dma_wait3A_435 : memref<10000x8x768xf32, #tpu.memory_space<hbm>>) dst(%dma_wait3A_428 : memref<4x8x768xf32, #tpu.memory_space<vmem>>)
      %add3A_436 = arith.constant 4 : i32
      %add3A_437 = arith.addi %mul3A_113, %add3A_436 : i32
      %mul3A_438 = arith.constant 4 : i32
      %mul3A_439 = arith.muli %add3A_437, %mul3A_438 : i32
      %add3A_440 = arith.addi %mul3A_2, %mul3A_439 : i32
      %dma_start3A_441 = arith.constant 4 : i32
      %dma_start3A_442 = arith.constant 0 : i32
      %dma_start3A_443 = arith.constant 0 : i32
      %dma_start3A_444 = arith.constant 0 : i32
      %dma_start3A_445 = tpu.memref_slice %arg8[%dma_start3A_441, %dma_start3A_442, %dma_start3A_443, %dma_start3A_444] : memref<5x4x8x768xf32, #tpu.memory_space<vmem>> -> memref<1x4x8x768xf32, #tpu.memory_space<vmem>>
      %dma_start3A_446 = tpu.memref_squeeze %dma_start3A_445 : memref<1x4x8x768xf32, #tpu.memory_space<vmem>> -> memref<4x8x768xf32, #tpu.memory_space<vmem>>
      %dma_start3A_447 = arith.constant 16 : i32
      %dma_start3A_448 = arith.constant 0 : i32
      %dma_start3A_449 = tpu.memref_slice %arg6[%add3A_440, %dma_start3A_447, %dma_start3A_448] : memref<5120x24x768xf32, #tpu.memory_space<hbm>> -> memref<4x8x768xf32, #tpu.memory_space<hbm>>
      %dma_start3A_450 = arith.constant 16 : i32
      %dma_start3A_451 = arith.constant 0 : i32
      %dma_start3A_452 = tpu.memref_slice %arg6[%add3A_440, %dma_start3A_450, %dma_start3A_451] : memref<5120x24x768xf32, #tpu.memory_space<hbm>> -> memref<4x8x768xf32, #tpu.memory_space<hbm>>
      %dma_start3A_453 = arith.constant 0 : i32
      %dma_start3A_454 = arith.constant 0 : i32
      %dma_start3A_455 = arith.constant 0 : i32
      %dma_start3A_456 = tpu.memref_slice %arg8[%dma_start3A_441, %dma_start3A_453, %dma_start3A_454, %dma_start3A_455] : memref<5x4x8x768xf32, #tpu.memory_space<vmem>> -> memref<1x4x8x768xf32, #tpu.memory_space<vmem>>
      %dma_start3A_457 = tpu.memref_squeeze %dma_start3A_456 : memref<1x4x8x768xf32, #tpu.memory_space<vmem>> -> memref<4x8x768xf32, #tpu.memory_space<vmem>>
      tpu.enqueue_dma source(%dma_start3A_457 : memref<4x8x768xf32, #tpu.memory_space<vmem>>) target(%dma_start3A_452 : memref<4x8x768xf32, #tpu.memory_space<hbm>>) target_semaphore(%arg10 : memref<!tpu.dma_semaphore, #tpu.memory_space<semaphore_mem>>)
    }
    %scan3A_16 = arith.constant 8 : i32
    %add3A_17 = arith.constant 0 : i32
    %add3A_18 = arith.addi %mul3A_2, %add3A_17 : i32
    %dma_wait3A = arith.constant 0 : i32
    %dma_wait3A_19 = arith.constant 0 : i32
    %dma_wait3A_20 = arith.constant 0 : i32
    %dma_wait3A_21 = arith.constant 0 : i32
    %dma_wait3A_22 = tpu.memref_slice %arg8[%dma_wait3A, %dma_wait3A_19, %dma_wait3A_20, %dma_wait3A_21] : memref<5x4x8x768xf32, #tpu.memory_space<vmem>> -> memref<1x4x8x768xf32, #tpu.memory_space<vmem>>
    %dma_wait3A_23 = tpu.memref_squeeze %dma_wait3A_22 : memref<1x4x8x768xf32, #tpu.memory_space<vmem>> -> memref<4x8x768xf32, #tpu.memory_space<vmem>>
    %dma_wait3A_24 = arith.constant 0 : i32
    %dma_wait3A_25 = arith.constant 0 : i32
    %dma_wait3A_26 = tpu.memref_slice %arg6[%add3A_18, %dma_wait3A_24, %dma_wait3A_25] : memref<5120x24x768xf32, #tpu.memory_space<hbm>> -> memref<4x8x768xf32, #tpu.memory_space<hbm>>
    %dma_wait3A_27 = arith.constant 0 : i32
    %dma_wait3A_28 = arith.constant 0 : i32
    %dma_wait3A_29 = tpu.memref_slice %arg6[%add3A_18, %dma_wait3A_27, %dma_wait3A_28] : memref<5120x24x768xf32, #tpu.memory_space<hbm>> -> memref<4x8x768xf32, #tpu.memory_space<hbm>>
    %dma_wait3A_30 = arith.constant 0 : i32
    %dma_wait3A_31 = arith.constant 0 : i32
    %dma_wait3A_32 = arith.constant 0 : i32
    %dma_wait3A_33 = tpu.memref_slice %arg8[%dma_wait3A, %dma_wait3A_30, %dma_wait3A_31, %dma_wait3A_32] : memref<5x4x8x768xf32, #tpu.memory_space<vmem>> -> memref<1x4x8x768xf32, #tpu.memory_space<vmem>>
    %dma_wait3A_34 = tpu.memref_squeeze %dma_wait3A_33 : memref<1x4x8x768xf32, #tpu.memory_space<vmem>> -> memref<4x8x768xf32, #tpu.memory_space<vmem>>
    tpu.wait_dma2 semaphore(%arg10 : memref<!tpu.dma_semaphore, #tpu.memory_space<semaphore_mem>>) src(%dma_wait3A_34 : memref<4x8x768xf32, #tpu.memory_space<vmem>>) dst(%dma_wait3A_29 : memref<4x8x768xf32, #tpu.memory_space<hbm>>)
    %add3A_35 = arith.constant 0 : i32
    %add3A_36 = arith.addi %mul3A_2, %add3A_35 : i32
    %dma_wait3A_37 = arith.constant 1 : i32
    %dma_wait3A_38 = arith.constant 0 : i32
    %dma_wait3A_39 = arith.constant 0 : i32
    %dma_wait3A_40 = arith.constant 0 : i32
    %dma_wait3A_41 = tpu.memref_slice %arg8[%dma_wait3A_37, %dma_wait3A_38, %dma_wait3A_39, %dma_wait3A_40] : memref<5x4x8x768xf32, #tpu.memory_space<vmem>> -> memref<1x4x8x768xf32, #tpu.memory_space<vmem>>
    %dma_wait3A_42 = tpu.memref_squeeze %dma_wait3A_41 : memref<1x4x8x768xf32, #tpu.memory_space<vmem>> -> memref<4x8x768xf32, #tpu.memory_space<vmem>>
    %dma_wait3A_43 = arith.constant 0 : i32
    %dma_wait3A_44 = arith.constant 0 : i32
    %dma_wait3A_45 = tpu.memref_slice %arg6[%add3A_36, %dma_wait3A_43, %dma_wait3A_44] : memref<5120x24x768xf32, #tpu.memory_space<hbm>> -> memref<4x8x768xf32, #tpu.memory_space<hbm>>
    %dma_wait3A_46 = arith.constant 0 : i32
    %dma_wait3A_47 = arith.constant 0 : i32
    %dma_wait3A_48 = tpu.memref_slice %arg6[%add3A_36, %dma_wait3A_46, %dma_wait3A_47] : memref<5120x24x768xf32, #tpu.memory_space<hbm>> -> memref<4x8x768xf32, #tpu.memory_space<hbm>>
    %dma_wait3A_49 = arith.constant 0 : i32
    %dma_wait3A_50 = arith.constant 0 : i32
    %dma_wait3A_51 = arith.constant 0 : i32
    %dma_wait3A_52 = tpu.memref_slice %arg8[%dma_wait3A_37, %dma_wait3A_49, %dma_wait3A_50, %dma_wait3A_51] : memref<5x4x8x768xf32, #tpu.memory_space<vmem>> -> memref<1x4x8x768xf32, #tpu.memory_space<vmem>>
    %dma_wait3A_53 = tpu.memref_squeeze %dma_wait3A_52 : memref<1x4x8x768xf32, #tpu.memory_space<vmem>> -> memref<4x8x768xf32, #tpu.memory_space<vmem>>
    tpu.wait_dma2 semaphore(%arg10 : memref<!tpu.dma_semaphore, #tpu.memory_space<semaphore_mem>>) src(%dma_wait3A_53 : memref<4x8x768xf32, #tpu.memory_space<vmem>>) dst(%dma_wait3A_48 : memref<4x8x768xf32, #tpu.memory_space<hbm>>)
    %add3A_54 = arith.constant 0 : i32
    %add3A_55 = arith.addi %mul3A_2, %add3A_54 : i32
    %dma_wait3A_56 = arith.constant 2 : i32
    %dma_wait3A_57 = arith.constant 0 : i32
    %dma_wait3A_58 = arith.constant 0 : i32
    %dma_wait3A_59 = arith.constant 0 : i32
    %dma_wait3A_60 = tpu.memref_slice %arg8[%dma_wait3A_56, %dma_wait3A_57, %dma_wait3A_58, %dma_wait3A_59] : memref<5x4x8x768xf32, #tpu.memory_space<vmem>> -> memref<1x4x8x768xf32, #tpu.memory_space<vmem>>
    %dma_wait3A_61 = tpu.memref_squeeze %dma_wait3A_60 : memref<1x4x8x768xf32, #tpu.memory_space<vmem>> -> memref<4x8x768xf32, #tpu.memory_space<vmem>>
    %dma_wait3A_62 = arith.constant 0 : i32
    %dma_wait3A_63 = arith.constant 0 : i32
    %dma_wait3A_64 = tpu.memref_slice %arg6[%add3A_55, %dma_wait3A_62, %dma_wait3A_63] : memref<5120x24x768xf32, #tpu.memory_space<hbm>> -> memref<4x8x768xf32, #tpu.memory_space<hbm>>
    %dma_wait3A_65 = arith.constant 0 : i32
    %dma_wait3A_66 = arith.constant 0 : i32
    %dma_wait3A_67 = tpu.memref_slice %arg6[%add3A_55, %dma_wait3A_65, %dma_wait3A_66] : memref<5120x24x768xf32, #tpu.memory_space<hbm>> -> memref<4x8x768xf32, #tpu.memory_space<hbm>>
    %dma_wait3A_68 = arith.constant 0 : i32
    %dma_wait3A_69 = arith.constant 0 : i32
    %dma_wait3A_70 = arith.constant 0 : i32
    %dma_wait3A_71 = tpu.memref_slice %arg8[%dma_wait3A_56, %dma_wait3A_68, %dma_wait3A_69, %dma_wait3A_70] : memref<5x4x8x768xf32, #tpu.memory_space<vmem>> -> memref<1x4x8x768xf32, #tpu.memory_space<vmem>>
    %dma_wait3A_72 = tpu.memref_squeeze %dma_wait3A_71 : memref<1x4x8x768xf32, #tpu.memory_space<vmem>> -> memref<4x8x768xf32, #tpu.memory_space<vmem>>
    tpu.wait_dma2 semaphore(%arg10 : memref<!tpu.dma_semaphore, #tpu.memory_space<semaphore_mem>>) src(%dma_wait3A_72 : memref<4x8x768xf32, #tpu.memory_space<vmem>>) dst(%dma_wait3A_67 : memref<4x8x768xf32, #tpu.memory_space<hbm>>)
    %add3A_73 = arith.constant 0 : i32
    %add3A_74 = arith.addi %mul3A_2, %add3A_73 : i32
    %dma_wait3A_75 = arith.constant 3 : i32
    %dma_wait3A_76 = arith.constant 0 : i32
    %dma_wait3A_77 = arith.constant 0 : i32
    %dma_wait3A_78 = arith.constant 0 : i32
    %dma_wait3A_79 = tpu.memref_slice %arg8[%dma_wait3A_75, %dma_wait3A_76, %dma_wait3A_77, %dma_wait3A_78] : memref<5x4x8x768xf32, #tpu.memory_space<vmem>> -> memref<1x4x8x768xf32, #tpu.memory_space<vmem>>
    %dma_wait3A_80 = tpu.memref_squeeze %dma_wait3A_79 : memref<1x4x8x768xf32, #tpu.memory_space<vmem>> -> memref<4x8x768xf32, #tpu.memory_space<vmem>>
    %dma_wait3A_81 = arith.constant 0 : i32
    %dma_wait3A_82 = arith.constant 0 : i32
    %dma_wait3A_83 = tpu.memref_slice %arg6[%add3A_74, %dma_wait3A_81, %dma_wait3A_82] : memref<5120x24x768xf32, #tpu.memory_space<hbm>> -> memref<4x8x768xf32, #tpu.memory_space<hbm>>
    %dma_wait3A_84 = arith.constant 0 : i32
    %dma_wait3A_85 = arith.constant 0 : i32
    %dma_wait3A_86 = tpu.memref_slice %arg6[%add3A_74, %dma_wait3A_84, %dma_wait3A_85] : memref<5120x24x768xf32, #tpu.memory_space<hbm>> -> memref<4x8x768xf32, #tpu.memory_space<hbm>>
    %dma_wait3A_87 = arith.constant 0 : i32
    %dma_wait3A_88 = arith.constant 0 : i32
    %dma_wait3A_89 = arith.constant 0 : i32
    %dma_wait3A_90 = tpu.memref_slice %arg8[%dma_wait3A_75, %dma_wait3A_87, %dma_wait3A_88, %dma_wait3A_89] : memref<5x4x8x768xf32, #tpu.memory_space<vmem>> -> memref<1x4x8x768xf32, #tpu.memory_space<vmem>>
    %dma_wait3A_91 = tpu.memref_squeeze %dma_wait3A_90 : memref<1x4x8x768xf32, #tpu.memory_space<vmem>> -> memref<4x8x768xf32, #tpu.memory_space<vmem>>
    tpu.wait_dma2 semaphore(%arg10 : memref<!tpu.dma_semaphore, #tpu.memory_space<semaphore_mem>>) src(%dma_wait3A_91 : memref<4x8x768xf32, #tpu.memory_space<vmem>>) dst(%dma_wait3A_86 : memref<4x8x768xf32, #tpu.memory_space<hbm>>)
    %add3A_92 = arith.constant 0 : i32
    %add3A_93 = arith.addi %mul3A_2, %add3A_92 : i32
    %dma_wait3A_94 = arith.constant 4 : i32
    %dma_wait3A_95 = arith.constant 0 : i32
    %dma_wait3A_96 = arith.constant 0 : i32
    %dma_wait3A_97 = arith.constant 0 : i32
    %dma_wait3A_98 = tpu.memref_slice %arg8[%dma_wait3A_94, %dma_wait3A_95, %dma_wait3A_96, %dma_wait3A_97] : memref<5x4x8x768xf32, #tpu.memory_space<vmem>> -> memref<1x4x8x768xf32, #tpu.memory_space<vmem>>
    %dma_wait3A_99 = tpu.memref_squeeze %dma_wait3A_98 : memref<1x4x8x768xf32, #tpu.memory_space<vmem>> -> memref<4x8x768xf32, #tpu.memory_space<vmem>>
    %dma_wait3A_100 = arith.constant 0 : i32
    %dma_wait3A_101 = arith.constant 0 : i32
    %dma_wait3A_102 = tpu.memref_slice %arg6[%add3A_93, %dma_wait3A_100, %dma_wait3A_101] : memref<5120x24x768xf32, #tpu.memory_space<hbm>> -> memref<4x8x768xf32, #tpu.memory_space<hbm>>
    %dma_wait3A_103 = arith.constant 0 : i32
    %dma_wait3A_104 = arith.constant 0 : i32
    %dma_wait3A_105 = tpu.memref_slice %arg6[%add3A_93, %dma_wait3A_103, %dma_wait3A_104] : memref<5120x24x768xf32, #tpu.memory_space<hbm>> -> memref<4x8x768xf32, #tpu.memory_space<hbm>>
    %dma_wait3A_106 = arith.constant 0 : i32
    %dma_wait3A_107 = arith.constant 0 : i32
    %dma_wait3A_108 = arith.constant 0 : i32
    %dma_wait3A_109 = tpu.memref_slice %arg8[%dma_wait3A_94, %dma_wait3A_106, %dma_wait3A_107, %dma_wait3A_108] : memref<5x4x8x768xf32, #tpu.memory_space<vmem>> -> memref<1x4x8x768xf32, #tpu.memory_space<vmem>>
    %dma_wait3A_110 = tpu.memref_squeeze %dma_wait3A_109 : memref<1x4x8x768xf32, #tpu.memory_space<vmem>> -> memref<4x8x768xf32, #tpu.memory_space<vmem>>
    tpu.wait_dma2 semaphore(%arg10 : memref<!tpu.dma_semaphore, #tpu.memory_space<semaphore_mem>>) src(%dma_wait3A_110 : memref<4x8x768xf32, #tpu.memory_space<vmem>>) dst(%dma_wait3A_105 : memref<4x8x768xf32, #tpu.memory_space<hbm>>)
    return
  }
}

</mosaic_0001>

<sc_bundles>
// kernel: kernel.3.cloned.1.call-start
scs
__scs_entry_jumppad:
0x0: {  	(pc) =	sbr.rel $0x88, $3  }
0x1: {  	(tag) =	ssettag $0x0;
	lr =	simm.s32 $0x1  }
0x2: {  	[smem:$0x3F9D] =	sst lr;
	_ =	strace $0xD0000000  }
0x3: {  	_ = 	snop  }
0x4: {  	_ = 	snop  }
0x5: {  	_ = 	snop  }
0x6: {  	_ = 	snop  }
0x7: {  	_ = 	snop  }
__scs_overlays_trampoline_lowered:
0x8: {  	[smem:$0x3FAC] =	sst s0  }
0x9: {  	[smem:$0x3FAD] =	sst s1  }
0xa: {  	[smem:$0x3FAE] =	sst s2  }
0xb: {  	[smem:$0x3FAF] =	sst s3  }
0xc: {  	[smem:$0x3FB0] =	sst s4  }
0xd: {  	[smem:$0x3FB1] =	sst s5  }
0xe: {  	[smem:$0x3FB2] =	sst s6  }
0xf: {  	[smem:$0x3FB3] =	sst s7  }
0x10: {  	[smem:$0x3FB4] =	sst s8  }
0x11: {  	[smem:$0x3FB5] =	sst s9;
	s0 =	simm.s32 @!p0 $0x0  }
0x12: {  	s1 =	sld [smem:$0x3F9B];
	s0 =	simm.s32 @p0 $0x1  }
0x13: {  	[smem:$0x3FB6] =	sst s0;
	s0 =	simm.s32 @!p1 $0x0  }
0x14: {  	s2 =	sld [smem:$0x3F9A];
	s0 =	simm.s32 @p1 $0x1  }
0x15: {  	[smem:$0x3FB7] =	sst s0;
	s0 =	simm.s32 @!p2 $0x0  }
0x16: {  	s3 =	sld [smem:$0x3FDB];
	s0 =	simm.s32 @p2 $0x1  }
0x17: {  	s4 =	simm.s32 $0x1BF5;
	[smem:$0x3FB9] =	sst s0  }
0x18: {  	s0 =	sld [smem:$0x3F9C];
	_ =	swait.ge [sflag:s4], $0x0  }
0x19: {  	s7 =	sld [smem:$0x3F9D]  }
0x1a: {  	s8 =	sadd.s32 $0xFFFFE003, lr  }
0x1b: {  	s9 =	sadd.s32 $0xFFFFFEF7, lr;
	s5 =	simm.s32 $0xFFFFFFFF;
	p2 =	slt.u32 s8, $0xFFFFF086  }
0x1c: {  	p1 =	slt.u32 s9, $0xF7A;
	s5 =	simm.s32 @!p2 $0x0  }
0x1d: {  	s5 =	simm.s32 @p1 $0x1;
	p0 =	seq.s32 s7, s2  }
0x1e: {  	s7 =	smul.u32 @!p0 $0xF7A, s2;
	p2 =	seq.s32 @!p0 s5, $0x0  }
0x1f: {  	s9 =	smul.u32 $0xF7A, s1;
	s8 =	simm.s32 @!p0 $0x1BF5;
	p2 =	por !p2, p0  }
0x20: {  	[sflag:s8] =	ssyncset.s32 @!p0 $0xFFFFF086;
	s6 =	sadd.s32 @!p0 s3, s7;
	s7 =	simm.s32 @!p0 $0x108  }
0x21: {  	s3 =	sadd.s32 s3, s9;
	s6 =	sadd.s32 @!p0 $0x88, s6;
	s7 =	simm.s32 @p2 $0x1082  }
0x22: {  	[simem:s7], [sflag:s8] =	dma.local @!p0 [hbm:s6], $0xF7A  }
0x23: {  	s9 =	sor.u32 $0xD0000000, s2;
	s6 =	simm.s32 $0x108;
	_ =	swait.ge @!p0 [sflag:s8], $0x0  }
0x24: {  	s3 =	sadd.s32 $0x88, s3;
	s6 =	simm.s32 @!p1 $0x1082;
	[sflag:s4] =	ssyncset.s32 $0xFFFFF086  }
0x25: {  	[simem:s6], [sflag:s4] =	dma.local [hbm:s3], $0xF7A  }
0x26: {  	[smem:$0x3F9D] =	sst s1;
	(tag) =	ssettag s2;
	_ =	strace s9  }
0x27: {  	s1 =	sld [smem:$0x3FAD]  }
0x28: {  	s2 =	sld [smem:$0x3FAE]  }
0x29: {  	s4 =	sld [smem:$0x3FB0]  }
0x2a: {  	p0 =	seq.s32 s5, $0x0;
	s5 =	sld [smem:$0x3FB1]  }
0x2b: {  	s6 =	sld [smem:$0x3FB2]  }
0x2c: {  	s7 =	sld [smem:$0x3FB3]  }
0x2d: {  	s3 =	simm.s32 $0x108;
	s8 =	sld [smem:$0x3FB4]  }
0x2e: {  	s3 =	simm.s32 @!p0 $0x1082;
	s9 =	sld [smem:$0x3FB5]  }
0x2f: {  	lr =	sadd.s32 s0, s3;
	s0 =	sld [smem:$0x3FAC]  }
0x30: {  	s3 =	sld [smem:$0x3FAF]  }
0x31: {  	[smem:$0x3FB8] =	sst s10  }
0x32: {  	s10 =	sld [smem:$0x3FB6];
	_ =	sdelay $0x3  }
0x33: {  	p0 =	seq.s32 s10, $0x1;
	s10 =	sld [smem:$0x3FB8];
	_ =	sdelay $0x3  }
0x34: {  	[smem:$0x3FB8] =	sst s10  }
0x35: {  	s10 =	sld [smem:$0x3FB7];
	_ =	sdelay $0x3  }
0x36: {  	p1 =	seq.s32 s10, $0x1;
	s10 =	sld [smem:$0x3FB8];
	_ =	sdelay $0x3  }
0x37: {  	[smem:$0x3FB8] =	sst s10  }
0x38: {  	s10 =	sld [smem:$0x3FB9]  }
0x39: {  	_ = 	snop;
	(pc) =	sbr.ind lr, $3  }
0x3a: {  	_ = 	snop  }
0x3b: {  	_ = 	snop  }
0x3c: {  	p2 =	seq.s32 s10, $0x1;
	s10 =	sld [smem:$0x3FB8]  }
0x3d: {  	_ =	shalt  }
0x3e: {  	_ =	shalt  }
0x3f: {  	_ =	shalt  }
0x40: {  	_ =	shalt  }
0x41: {  	_ =	shalt  }
0x42: {  	_ =	shalt  }
0x43: {  	_ =	shalt  }
0x44: {  	_ =	shalt  }
0x45: {  	_ =	shalt  }
0x46: {  	_ =	shalt  }
0x47: {  	_ =	shalt  }
0x48: {  	_ =	shalt  }
0x49: {  	_ =	shalt  }
0x4a: {  	_ =	shalt  }
0x4b: {  	_ =	shalt  }
0x4c: {  	_ =	shalt  }
0x4d: {  	_ =	shalt  }
0x4e: {  	_ =	shalt  }
0x4f: {  	_ =	shalt  }
0x50: {  	_ =	shalt  }
0x51: {  	_ =	shalt  }
0x52: {  	_ =	shalt  }
0x53: {  	_ =	shalt  }
0x54: {  	_ =	shalt  }
0x55: {  	_ =	shalt  }
0x56: {  	_ =	shalt  }
0x57: {  	_ =	shalt  }
0x58: {  	_ =	shalt  }
0x59: {  	_ =	shalt  }
0x5a: {  	_ =	shalt  }
0x5b: {  	_ =	shalt  }
0x5c: {  	_ =	shalt  }
0x5d: {  	_ =	shalt  }
0x5e: {  	_ =	shalt  }
0x5f: {  	_ =	shalt  }
0x60: {  	_ =	shalt  }
0x61: {  	_ =	shalt  }
0x62: {  	_ =	shalt  }
0x63: {  	_ =	shalt  }
0x64: {  	_ =	shalt  }
0x65: {  	_ =	shalt  }
0x66: {  	_ =	shalt  }
0x67: {  	_ =	shalt  }
0x68: {  	_ =	shalt  }
0x69: {  	_ =	shalt  }
0x6a: {  	_ =	shalt  }
0x6b: {  	_ =	shalt  }
0x6c: {  	_ =	shalt  }
0x6d: {  	_ =	shalt  }
0x6e: {  	_ =	shalt  }
0x6f: {  	_ =	shalt  }
0x70: {  	_ =	shalt  }
0x71: {  	_ =	shalt  }
0x72: {  	_ =	shalt  }
0x73: {  	_ =	shalt  }
0x74: {  	_ =	shalt  }
0x75: {  	_ =	shalt  }
0x76: {  	_ =	shalt  }
0x77: {  	_ =	shalt  }
0x78: {  	_ =	shalt  }
0x79: {  	_ =	shalt  }
0x7a: {  	_ =	shalt  }
0x7b: {  	_ =	shalt  }
0x7c: {  	_ =	shalt  }
0x7d: {  	_ =	shalt  }
0x7e: {  	_ =	shalt  }
0x7f: {  	_ =	shalt  }
0x80: {  	_ =	shalt  }
0x81: {  	_ =	shalt  }
0x82: {  	_ =	shalt  }
0x83: {  	_ =	shalt  }
0x84: {  	_ =	shalt  }
0x85: {  	_ =	shalt  }
0x86: {  	_ =	shalt  }
0x87: {  	_ =	shalt  }
.Lfunc_end0:
.L_simem_size_0:
called_computation_lowered:
.L_overlay_start_0:
0x88: {  	s2 =	sld [smem:$0x3FD9]  }
0x89: {  	s3 =	sld [smem:$0x3FFE];
	_ =	sdelay $0x1  }
0x8a: {  	s1 =	srdreg.scid  }
0x8b: {  	s0 =	sand.u32 $0x1, s1  }
0x8c: {  	s17 =	sshll.u32 s0, $0xA;
	s2 =	sadd.s32 s3, s2  }
0x8d: {  	s2 =	sadd.s32 s2, s17  }
0x8e: {  	[smem:$0x3FC4] =	sst s2  }
0x8f: {  	_ = 	snop  }
0x90: {  	s2 =	sld [smem:$0x3FC8]  }
0x91: {  	s18 =	sld [smem:$0x3FC7]  }
0x92: {  	s4 =	sld [smem:$0x3FC6]  }
0x93: {  	s5 =	sld [smem:$0x3FD0];
	(tm) =	ssettm $0x1  }
0x94: {  	s6 =	sld [smem:$0x3FFB];
	_ =	sdelay $0x3  }
0x95: {  	_ =	strace s6  }
0x96: {  	s6 =	sld [smem:$0x3FFC];
	_ =	sdelay $0x3  }
0x97: {  	_ =	strace s6  }
0x98: {  	s6 =	sld [smem:$0x3FFD];
	_ =	sdelay $0x3  }
0x99: {  	_ =	strace s6  }
0x9a: {  	_ =	strace $0x8FFFFFFF  }
0x9b: {  	s19 =	sld [smem:$0x3FDB];
	_ =	sdelay $0x1  }
0x9c: {  	s7 =	simm.s32 $_scs_section_size  }
0x9d: {  	s8 =	simm.s32 $_size__tile_overlayer_lowered;
	s9 =	simm.s32 $_tile_overlayer_lowered  }
0x9e: {  	s22 =	simm.s32 $0x1BFF;
	s21 =	sshll.u32 s9, $0x1;
	s6 =	sadd.s32 s7, s19  }
0x9f: {  	s10 =	simm.s32 $0x0;
	s20 =	sshll.u32 s8, $0x1;
	s8 =	sadd.s32 s21, s6  }
0xa0: {  	[timem:s10], [sflag:s22] =	dma.local [hbm:s8], s20  }
0xa1: {  	_ =	swait.ge [sflag:s22], s20  }
0xa2: {  	s7 =	ssub.s32 $0x0, s20;
	[sflag:s22] =	ssyncset.done $0x0  }
0xa3: {  	[sflag:s22] =	ssyncadd.s32 s7;
	_ =	sdelay $0x1  }
0xa4: {  	s23 =	simm.s32 $0x1B8B  }
0xa5: {  	_ =	swait.ge [sflag:s23], $0x1  }
0xa6: {  	[sflag:s23] =	ssyncset.done $0x0  }
0xa7: {  	s25 =	simm.s32 $0x1B8E;
	s24 =	sld [smem:$0x3FFE];
	[sflag:s23] =	ssyncadd.s32 $0xFFFFFFFF  }
0xa8: {  	s26 =	simm.s32 $execute0_lowered;
	[smem:$0x3FD2] =	sst s25  }
0xa9: {  	s8 =	sshll.u32 s26, $0x1;
	_ =	strace $0x80000046;
	[dreg:$0x1] =	wrdreg $0xFFFFFFFF  }
0xaa: {  	s28 =	simm.s32 $_size_execute0_lowered;
	s6 =	sadd.s32 s6, s8;
	[dreg:$0x0] =	wrdreg $0x0  }
0xab: {  	s8 =	sshll.u32 s28, $0x1;
	[dreg:$0x2] =	wrdreg s6  }
0xac: {  	[dreg:$0x3] =	wrdreg s8  }
0xad: {  	[dreg:$0x4] =	wrdreg $0xC0  }
0xae: {  	_ =	task [dreg:s10], $0x5FFFF  }
0xaf: {  	[dreg:$0x1] =	wrdreg $0xFFFFFFFF  }
0xb0: {  	[dreg:$0x0] =	wrdreg $0x60  }
0xb1: {  	[dreg:$0x2] =	wrdreg s24  }
0xb2: {  	[dreg:$0x3] =	wrdreg s2  }
0xb3: {  	[dreg:$0x4] =	wrdreg s18  }
0xb4: {  	[dreg:$0x5] =	wrdreg s4  }
0xb5: {  	[dreg:$0x6] =	wrdreg s5  }
0xb6: {  	[dreg:$0x7] =	wrdreg $0x9  }
0xb7: {  	_ =	task.clear_ibuf [dreg:s10], $0x8FFFF;
	_ =	strace $0x90000046  }
0xb8: {  	s29 =	simm.s32 $0x9;
	_ =	strace $0x80000048  }
0xb9: {  	_ =	swait.ge [sflag:s29], $0x1  }
0xba: {  	[sflag:s29] =	ssyncadd.s32 $0xFFFFFFFF  }
0xbb: {  	_ =	strace $0x90000048  }
0xbc: {  	_ =	sfence  }
0xbd: {  	s30 =	sld [smem:$0x0];
	_ =	sdelay $0x2  }
0xbe: {  	s31 =	sshll.u32 s1, $0xD;
	s1 =	sshrl.u32 s1, $0x2  }
0xbf: {  	s3 =	sand.u32 $0x4000, s31;
	s1 =	sadd.s32 s1, s30  }
0xc0: {  	s0 =	sor.u32 s3, s0;
	s1 =	sshll.u32 s1, $0x11  }
0xc1: {  	s0 =	sor.u32 s1, s0  }
0xc2: {  	s0 =	sadd.s32 $0x8F2B, s0  }
0xc3: {  	[sflag:s0] =	ssyncadd.remote.s32 $0x1  }
0xc4: {  	_ =	sfence.sel $0xFFFF  }
0xc5: {  	[dreg:$0x0] =	wrdreg $0xFFFFFFFF;
	(pc) =	sbr.abs _section_cstart, $3  }
0xc6: {  	[dreg:$0x1] =	wrdreg $0xFFFFFFFF  }
0xc7: {  	_ =	task.clear_ibuf [dreg:s10], $0x2FFFF;
	_ =	strace $0x9FFFFFFF  }
0xc8: {  	(tm) =	ssettm $0x7FFFFFFF  }
0xc9: {  	_ =	shalt  }
tec
execute0_lowered:
.L_overlay_start_1:
0x0: {  	(tag) =	ssettag $0x1  }
0x1: {  	s6 =	rddreg [dreg:$0x0]  }
0x2: {  	s1 =	rddreg [dreg:$0x1]  }
0x3: {  	s2 =	rddreg [dreg:$0x2];
	s3 =	srdreg.scid  }
0x4: {  	s0 =	stileid.u32;
	s4 =	rddreg [dreg:$0x3]  }
0x5: {  	s13 =	rddreg [dreg:$0x4];
	s16 =	simm.s32 $0xD400;
	s17 =	simm.s32 $0x13400  }
0x6: {  	s18 =	simm.s32 $0x19400;
	s19 =	simm.s32 $0x1;
	s20 =	simm.s32 $0x1800  }
0x7: {  	s21 =	simm.s32 $0x4800;
	s22 =	simm.s32 $0x1400;
	s10 =	smul.u32 $0x5A0000, s0  }
0x8: {  	s23 =	simm.s32 $0x2;
	s8 =	sand.u32 $0x1, s3;
	s26 =	smul.u32 $0xB4000, s0  }
0x9: {  	s24 =	sshll.u32 s0, $0x1;
	s3 =	rddreg [dreg:$0x5];
	s12 =	smul.u32 $0x2D0000, s8  }
0xa: {  	s5 =	sor.u32 s8, s24;
	s9 =	ssub.s32 $0x2, s8;
	s8 =	smul.u32 $0x5A000, s8  }
0xb: {  	s7 =	smul.u32 $0x280, s5;
	s5 =	simm.s32 $0x0;
	s11 =	sshrl.u32 s9, $0x1  }
0xc: {  	s24 =	simm.s32 $0x0;
	[smem:$0x7FF] =	sst s5;
	s25 =	ssub.s32 s9, s11  }
0xd: {  	s28 =	sadd.s32 s12, s10;
	s9 =	sadd.s32 s26, s13;
	_ =	strace $0x80000047  }
0xe: {  	s6 =	sadd.s32 s7, s6;
	s7 =	smax.u32 s25, $0x1;
	s10 =	sor.u32 $0x3000, s28  }
0xf: {  	s12 =	sadd.s32 $0x15000, s28;
	s8 =	sadd.s32 s8, s9;
	s30 =	sadd.s32 $0x4B000, s28  }
0x10: {  	s14 =	sadd.s32 $0x39000, s28;
	s15 =	sadd.s32 $0x27000, s28;
	s6 =	sadd.s32 $0x400, s6  }
0x11: {  	s10 =	sshrl.u32 s10, $0x3;
	s29 =	sshrl.u32 s12, $0x3;
	s12 =	sshrl.u32 s30, $0x3  }
0x12: {  	s14 =	sshrl.u32 s14, $0x3;
	s31 =	sshrl.u32 s15, $0x3;
	s15 =	simm.s32 $0x7400  }
0x13: {  	s9 =	sadd.s32 s10, s13;
	s10 =	sadd.s32 s29, s13;
	s11 =	sadd.s32 s12, s13  }
0x14: {  	vm0 =	vmmov $0xf;
	v0 =	vlaneseq.u32;
	s12 =	sadd.s32 s14, s13;
	s13 =	sadd.s32 s31, s13;
	s14 =	simm.s32 $0x3  }
.LBB2_1:
0x15: {  	[tilespmem:s5], [sflag:$0x3] =	stream.linear.gather [hbm4b:s6+s5], $0x1400, $0x38;
	[tilespmem:$0x1F400] =	vst v63  }
0x16: {  	_ =	swait.ge [sflag:s14], $0x1400  }
0x17: {  	s26 =	simm.s32 $0x100;
	[sflag:s14] =	ssyncset.done $0x0  }
0x18: {  	s28 =	simm.s32 $0x100;
	s29 =	simm.s32 $0x0;
	[sflag:s14] =	ssyncadd.s32 $0xFFFFEC00  }
.LBB2_2:
0x19: {  	p0 =	seq.s32 s29, $0x0  }
0x1a: {  	v1 =	vld.msk @p0 [tilespmem:$0x0], $0xf;
	_ =	sdelay $0x4  }
0x1b: {  	v1 =	vmul.u32 @p0 $0x1800, v1  }
0x1c: {  	v2 =	vlaneseq.u32 @p0  }
0x1d: {  	v1 =	vperm.xlane @p0 v1, v2;
	_ =	sdelay $0x4  }
0x1e: {  	vm1 =	vmmov @p0 $0xf;
	s25 =	simm.s32 @p0 $0x0;
	s30 =	simm.s32 @p0 $0x1400  }
0x1f: {  	[tilespmem:s30], [sflag:$0x1] =	stream.indirect_vreg.gather @p0 [hbm4b:s1+s25], $0x1800, v1, vm1, $0x38;
	[tilespmem:$0x1F400] =	vst v63  }
0x20: {  	s25 =	simm.s32 @!p0 $0x2  }
0x21: {  	_ =	swait.ge @!p0 [sflag:s25], $0x6000  }
0x22: {  	[sflag:s25] =	ssyncset.done @!p0 $0x0  }
0x23: {  	[sflag:s25] =	ssyncadd.s32 @!p0 $0xFFFFA000  }
0x24: {  	v1 =	vld.msk @!p0 [tilespmem:s28+$0xFFFFFF00], $0xf;
	_ =	sdelay $0x4  }
0x25: {  	v1 =	vmul.u32 @!p0 $0x1800, v1  }
0x26: {  	v2 =	vlaneseq.u32 @!p0  }
0x27: {  	v1 =	vperm.xlane @!p0 v1, v2;
	_ =	sdelay $0x4  }
0x28: {  	s31 =	simm.s32 @!p0 $0x1400;
	vm1 =	vmmov @!p0 $0xf;
	s30 =	simm.s32 @!p0 $0x0  }
0x29: {  	[tilespmem:s31], [sflag:$0x1] =	stream.indirect_vreg.gather @!p0 [hbm4b:s1+s30], $0x1800, v1, vm1, $0x38;
	[tilespmem:$0x1F400] =	vst v63  }
0x2a: {  	_ =	swait.ge @!p0 [sflag:s25], $0x6000  }
0x2b: {  	[sflag:s25] =	ssyncset.done @!p0 $0x0  }
0x2c: {  	[sflag:s25] =	ssyncadd.s32 @!p0 $0xFFFFA000  }
0x2d: {  	v1 =	vld.msk [tilespmem:s28+$0xFFFFFF80], $0xf;
	_ =	sdelay $0x4  }
0x2e: {  	v1 =	vmul.u32 $0x1800, v1;
	_ =	sdelay $0x1  }
0x2f: {  	v1 =	vperm.xlane v1, v0;
	_ =	sdelay $0x5  }
0x30: {  	[tilespmem:s15], [sflag:$0x1] =	stream.indirect_vreg.gather [hbm4b:s1+s5], $0x1800, v1, vm0, $0x38;
	[tilespmem:$0x1F400] =	vst v63  }
0x31: {  	_ =	swait.ge @!p0 [sflag:s25], $0x6000  }
0x32: {  	[sflag:s25] =	ssyncset.done @!p0 $0x0  }
0x33: {  	[sflag:s25] =	ssyncadd.s32 @!p0 $0xFFFFA000  }
0x34: {  	v1 =	vld.msk [tilespmem:s28+$0x0], $0xf;
	_ =	sdelay $0x4  }
0x35: {  	v1 =	vmul.u32 $0x1800, v1;
	_ =	sdelay $0x1  }
0x36: {  	v1 =	vperm.xlane v1, v0;
	_ =	sdelay $0x5  }
0x37: {  	[tilespmem:s16], [sflag:$0x1] =	stream.indirect_vreg.gather [hbm4b:s1+s5], $0x1800, v1, vm0, $0x38;
	[tilespmem:$0x1F400] =	vst v63  }
0x38: {  	_ =	swait.ge @!p0 [sflag:s25], $0x6000  }
0x39: {  	[sflag:s25] =	ssyncset.done @!p0 $0x0  }
0x3a: {  	[sflag:s25] =	ssyncadd.s32 @!p0 $0xFFFFA000  }
0x3b: {  	v1 =	vld.msk [tilespmem:s28+$0x80], $0xf;
	_ =	sdelay $0x4  }
0x3c: {  	v1 =	vmul.u32 $0x1800, v1;
	_ =	sdelay $0x1  }
0x3d: {  	v1 =	vperm.xlane v1, v0;
	_ =	sdelay $0x5  }
0x3e: {  	[tilespmem:s17], [sflag:$0x1] =	stream.indirect_vreg.gather [hbm4b:s1+s5], $0x1800, v1, vm0, $0x38;
	[tilespmem:$0x1F400] =	vst v63  }
0x3f: {  	_ =	swait.ge @!p0 [sflag:s25], $0x6000  }
0x40: {  	[sflag:s25] =	ssyncset.done @!p0 $0x0  }
0x41: {  	[sflag:s25] =	ssyncadd.s32 @!p0 $0xFFFFA000  }
0x42: {  	v1 =	vld.msk [tilespmem:s28+$0x100], $0xf;
	_ =	sdelay $0x4  }
0x43: {  	v1 =	vmul.u32 $0x1800, v1;
	_ =	sdelay $0x1  }
0x44: {  	v1 =	vperm.xlane v1, v0;
	_ =	sdelay $0x4  }
0x45: {  	s25 =	simm.s32 $0x0  }
0x46: {  	[tilespmem:s18], [sflag:$0x1] =	stream.indirect_vreg.gather [hbm4b:s1+s25], $0x1800, v1, vm0, $0x38;
	[tilespmem:$0x1F400] =	vst v63  }
0x47: {  	_ =	swait.ge [sflag:s19], $0x6000  }
0x48: {  	[sflag:s19] =	ssyncset.done $0x0  }
0x49: {  	s30 =	sadd.s32 s29, s8;
	[sflag:s19] =	ssyncadd.s32 $0xFFFFA000  }
0x4a: {  	[hbm4b:s30+s20] =	stream.strided.scatter [tilespmem:s22], [sflag:$0x2], $0x6000, s21, s20, $0x38;
	[tilespmem:$0x1F400] =	vst v63  }
0x4b: {  	_ =	swait.ge [sflag:s19], $0x6000  }
0x4c: {  	[sflag:s19] =	ssyncset.done $0x0  }
0x4d: {  	s31 =	sadd.s32 $0x2400, s30;
	[sflag:s19] =	ssyncadd.s32 $0xFFFFA000  }
0x4e: {  	[hbm4b:s31+s20] =	stream.strided.scatter [tilespmem:s15], [sflag:$0x2], $0x6000, s21, s20, $0x38;
	[tilespmem:$0x1F400] =	vst v63  }
0x4f: {  	_ =	swait.ge [sflag:s19], $0x6000  }
0x50: {  	[sflag:s19] =	ssyncset.done $0x0  }
0x51: {  	s31 =	sadd.s32 $0x4800, s30;
	[sflag:s19] =	ssyncadd.s32 $0xFFFFA000  }
0x52: {  	[hbm4b:s31+s20] =	stream.strided.scatter [tilespmem:s16], [sflag:$0x2], $0x6000, s21, s20, $0x38;
	[tilespmem:$0x1F400] =	vst v63  }
0x53: {  	_ =	swait.ge [sflag:s19], $0x6000  }
0x54: {  	s29 =	sadd.s32 $0xB400, s29;
	[sflag:s19] =	ssyncset.done $0x0  }
0x55: {  	p0 =	sne.s32 s29, $0x5A000;
	s31 =	sadd.s32 $0x6C00, s30;
	[sflag:s19] =	ssyncadd.s32 $0xFFFFA000  }
0x56: {  	[hbm4b:s31+s20] =	stream.strided.scatter [tilespmem:s17], [sflag:$0x2], $0x6000, s21, s20, $0x38;
	[tilespmem:$0x1F400] =	vst v63  }
.Ltmp0:
0x57: {  	_ = 	snop;
	(pc) =	sbr.rel @p0 .LBB2_2-.Ltmp0, $4  }
0x58: {  	_ =	swait.ge [sflag:s19], $0x6000  }
0x59: {  	[sflag:s19] =	ssyncset.done $0x0  }
0x5a: {  	s28 =	sadd.s32 $0x280, s28;
	s30 =	sadd.s32 $0x9000, s30;
	[sflag:s19] =	ssyncadd.s32 $0xFFFFA000  }
0x5b: {  	[hbm4b:s30+s20] =	stream.strided.scatter [tilespmem:s18], [sflag:$0x2], $0x6000, s21, s20, $0x38;
	[tilespmem:$0x1F400] =	vst v63  }
0x5c: {  	s28 =	simm.s32 $0x0  }
.LBB2_4:
0x5d: {  	_ =	swait.ge [sflag:s23], $0x6000  }
0x5e: {  	[sflag:s23] =	ssyncset.done $0x0  }
0x5f: {  	[sflag:s23] =	ssyncadd.s32 $0xFFFFA000  }
0x60: {  	v1 =	vld.msk [tilespmem:s26+$0xFFFFFF00], $0xf;
	_ =	sdelay $0x4  }
0x61: {  	v1 =	vmul.u32 $0x1800, v1;
	_ =	sdelay $0x1  }
0x62: {  	v1 =	vperm.xlane v1, v0;
	_ =	sdelay $0x5  }
0x63: {  	[tilespmem:s22], [sflag:$0x1] =	stream.indirect_vreg.gather [hbm4b:s2+s25], $0x1800, v1, vm0, $0x38;
	[tilespmem:$0x1F400] =	vst v63  }
0x64: {  	_ =	swait.ge [sflag:s23], $0x6000  }
0x65: {  	[sflag:s23] =	ssyncset.done $0x0  }
0x66: {  	[sflag:s23] =	ssyncadd.s32 $0xFFFFA000  }
0x67: {  	v1 =	vld.msk [tilespmem:s26+$0xFFFFFF80], $0xf;
	_ =	sdelay $0x4  }
0x68: {  	v1 =	vmul.u32 $0x1800, v1;
	_ =	sdelay $0x1  }
0x69: {  	v1 =	vperm.xlane v1, v0;
	_ =	sdelay $0x5  }
0x6a: {  	[tilespmem:s15], [sflag:$0x1] =	stream.indirect_vreg.gather [hbm4b:s2+s25], $0x1800, v1, vm0, $0x38;
	[tilespmem:$0x1F400] =	vst v63  }
0x6b: {  	_ =	swait.ge [sflag:s23], $0x6000  }
0x6c: {  	[sflag:s23] =	ssyncset.done $0x0  }
0x6d: {  	[sflag:s23] =	ssyncadd.s32 $0xFFFFA000  }
0x6e: {  	v1 =	vld.msk [tilespmem:s26+$0x0], $0xf;
	_ =	sdelay $0x4  }
0x6f: {  	v1 =	vmul.u32 $0x1800, v1;
	_ =	sdelay $0x1  }
0x70: {  	v1 =	vperm.xlane v1, v0;
	_ =	sdelay $0x5  }
0x71: {  	[tilespmem:s16], [sflag:$0x1] =	stream.indirect_vreg.gather [hbm4b:s2+s25], $0x1800, v1, vm0, $0x38;
	[tilespmem:$0x1F400] =	vst v63  }
0x72: {  	_ =	swait.ge [sflag:s23], $0x6000  }
0x73: {  	[sflag:s23] =	ssyncset.done $0x0  }
0x74: {  	[sflag:s23] =	ssyncadd.s32 $0xFFFFA000  }
0x75: {  	v1 =	vld.msk [tilespmem:s26+$0x80], $0xf;
	_ =	sdelay $0x4  }
0x76: {  	v1 =	vmul.u32 $0x1800, v1;
	_ =	sdelay $0x1  }
0x77: {  	v1 =	vperm.xlane v1, v0;
	_ =	sdelay $0x5  }
0x78: {  	[tilespmem:s17], [sflag:$0x1] =	stream.indirect_vreg.gather [hbm4b:s2+s25], $0x1800, v1, vm0, $0x38;
	[tilespmem:$0x1F400] =	vst v63  }
0x79: {  	_ =	swait.ge [sflag:s23], $0x6000  }
0x7a: {  	[sflag:s23] =	ssyncset.done $0x0  }
0x7b: {  	[sflag:s23] =	ssyncadd.s32 $0xFFFFA000  }
0x7c: {  	v1 =	vld.msk [tilespmem:s26+$0x100], $0xf;
	_ =	sdelay $0x4  }
0x7d: {  	v1 =	vmul.u32 $0x1800, v1;
	_ =	sdelay $0x1  }
0x7e: {  	v1 =	vperm.xlane v1, v0;
	_ =	sdelay $0x5  }
0x7f: {  	[tilespmem:s18], [sflag:$0x1] =	stream.indirect_vreg.gather [hbm4b:s2+s25], $0x1800, v1, vm0, $0x38;
	[tilespmem:$0x1F400] =	vst v63  }
0x80: {  	_ =	swait.ge [sflag:s19], $0x6000  }
0x81: {  	s29 =	sadd.s32 s28, s8;
	[sflag:s19] =	ssyncset.done $0x0  }
0x82: {  	s30 =	sadd.s32 $0x300, s29;
	[sflag:s19] =	ssyncadd.s32 $0xFFFFA000  }
0x83: {  	[hbm4b:s30+s20] =	stream.strided.scatter [tilespmem:s22], [sflag:$0x2], $0x6000, s21, s20, $0x38;
	[tilespmem:$0x1F400] =	vst v63  }
0x84: {  	_ =	swait.ge [sflag:s19], $0x6000  }
0x85: {  	[sflag:s19] =	ssyncset.done $0x0  }
0x86: {  	s31 =	sadd.s32 $0x2700, s29;
	[sflag:s19] =	ssyncadd.s32 $0xFFFFA000  }
0x87: {  	[hbm4b:s31+s20] =	stream.strided.scatter [tilespmem:s15], [sflag:$0x2], $0x6000, s21, s20, $0x38;
	[tilespmem:$0x1F400] =	vst v63  }
0x88: {  	_ =	swait.ge [sflag:s19], $0x6000  }
0x89: {  	[sflag:s19] =	ssyncset.done $0x0  }
0x8a: {  	s31 =	sadd.s32 $0x4B00, s29;
	[sflag:s19] =	ssyncadd.s32 $0xFFFFA000  }
0x8b: {  	[hbm4b:s31+s20] =	stream.strided.scatter [tilespmem:s16], [sflag:$0x2], $0x6000, s21, s20, $0x38;
	[tilespmem:$0x1F400] =	vst v63  }
0x8c: {  	_ =	swait.ge [sflag:s19], $0x6000  }
0x8d: {  	[sflag:s19] =	ssyncset.done $0x0  }
0x8e: {  	p0 =	sne.s32 s28, $0x4EC00;
	s31 =	sadd.s32 $0x6F00, s29;
	[sflag:s19] =	ssyncadd.s32 $0xFFFFA000  }
0x8f: {  	[hbm4b:s31+s20] =	stream.strided.scatter [tilespmem:s17], [sflag:$0x2], $0x6000, s21, s20, $0x38;
	[tilespmem:$0x1F400] =	vst v63  }
.Ltmp1:
0x90: {  	_ = 	snop;
	(pc) =	sbr.rel @p0 .LBB2_4-.Ltmp1, $4  }
0x91: {  	_ =	swait.ge [sflag:s19], $0x6000  }
0x92: {  	s28 =	sadd.s32 $0xB400, s28;
	[sflag:s19] =	ssyncset.done $0x0  }
0x93: {  	s26 =	sadd.s32 $0x280, s26;
	s29 =	sadd.s32 $0x9300, s29;
	[sflag:s19] =	ssyncadd.s32 $0xFFFFA000  }
0x94: {  	[hbm4b:s29+s20] =	stream.strided.scatter [tilespmem:s18], [sflag:$0x2], $0x6000, s21, s20, $0x38;
	[tilespmem:$0x1F400] =	vst v63  }
0x95: {  	s26 =	simm.s32 $0x100  }
.LBB2_6:
0x96: {  	_ =	swait.ge [sflag:s23], $0x6000  }
0x97: {  	[sflag:s23] =	ssyncset.done $0x0  }
0x98: {  	[sflag:s23] =	ssyncadd.s32 $0xFFFFA000  }
0x99: {  	v1 =	vld.msk [tilespmem:s26+$0xFFFFFF00], $0xf;
	_ =	sdelay $0x4  }
0x9a: {  	v1 =	vmul.u32 $0x1800, v1;
	_ =	sdelay $0x1  }
0x9b: {  	v1 =	vperm.xlane v1, v0;
	_ =	sdelay $0x5  }
0x9c: {  	[tilespmem:s22], [sflag:$0x1] =	stream.indirect_vreg.gather [hbm4b:s4+s5], $0x1800, v1, vm0, $0x38;
	[tilespmem:$0x1F400] =	vst v63  }
0x9d: {  	_ =	swait.ge [sflag:s23], $0x6000  }
0x9e: {  	[sflag:s23] =	ssyncset.done $0x0  }
0x9f: {  	[sflag:s23] =	ssyncadd.s32 $0xFFFFA000  }
0xa0: {  	v1 =	vld.msk [tilespmem:s26+$0xFFFFFF80], $0xf;
	_ =	sdelay $0x4  }
0xa1: {  	v1 =	vmul.u32 $0x1800, v1;
	_ =	sdelay $0x1  }
0xa2: {  	v1 =	vperm.xlane v1, v0;
	_ =	sdelay $0x5  }
0xa3: {  	[tilespmem:s15], [sflag:$0x1] =	stream.indirect_vreg.gather [hbm4b:s4+s5], $0x1800, v1, vm0, $0x38;
	[tilespmem:$0x1F400] =	vst v63  }
0xa4: {  	_ =	swait.ge [sflag:s23], $0x6000  }
0xa5: {  	[sflag:s23] =	ssyncset.done $0x0  }
0xa6: {  	[sflag:s23] =	ssyncadd.s32 $0xFFFFA000  }
0xa7: {  	v1 =	vld.msk [tilespmem:s26+$0x0], $0xf;
	_ =	sdelay $0x4  }
0xa8: {  	v1 =	vmul.u32 $0x1800, v1;
	_ =	sdelay $0x1  }
0xa9: {  	v1 =	vperm.xlane v1, v0;
	_ =	sdelay $0x5  }
0xaa: {  	[tilespmem:s16], [sflag:$0x1] =	stream.indirect_vreg.gather [hbm4b:s4+s5], $0x1800, v1, vm0, $0x38;
	[tilespmem:$0x1F400] =	vst v63  }
0xab: {  	_ =	swait.ge [sflag:s23], $0x6000  }
0xac: {  	[sflag:s23] =	ssyncset.done $0x0  }
0xad: {  	[sflag:s23] =	ssyncadd.s32 $0xFFFFA000  }
0xae: {  	v1 =	vld.msk [tilespmem:s26+$0x80], $0xf;
	_ =	sdelay $0x4  }
0xaf: {  	v1 =	vmul.u32 $0x1800, v1;
	_ =	sdelay $0x1  }
0xb0: {  	v1 =	vperm.xlane v1, v0;
	_ =	sdelay $0x5  }
0xb1: {  	[tilespmem:s17], [sflag:$0x1] =	stream.indirect_vreg.gather [hbm4b:s4+s5], $0x1800, v1, vm0, $0x38;
	[tilespmem:$0x1F400] =	vst v63  }
0xb2: {  	_ =	swait.ge [sflag:s23], $0x6000  }
0xb3: {  	[sflag:s23] =	ssyncset.done $0x0  }
0xb4: {  	[sflag:s23] =	ssyncadd.s32 $0xFFFFA000  }
0xb5: {  	v1 =	vld.msk [tilespmem:s26+$0x100], $0xf;
	_ =	sdelay $0x4  }
0xb6: {  	v1 =	vmul.u32 $0x1800, v1;
	_ =	sdelay $0x1  }
0xb7: {  	v1 =	vperm.xlane v1, v0;
	_ =	sdelay $0x5  }
0xb8: {  	[tilespmem:s18], [sflag:$0x1] =	stream.indirect_vreg.gather [hbm4b:s4+s5], $0x1800, v1, vm0, $0x38;
	[tilespmem:$0x1F400] =	vst v63  }
0xb9: {  	_ =	swait.ge [sflag:s19], $0x6000  }
0xba: {  	[sflag:s19] =	ssyncset.done $0x0  }
0xbb: {  	s28 =	sadd.s32 s25, s9;
	[sflag:s19] =	ssyncadd.s32 $0xFFFFA000  }
0xbc: {  	[hbm4b:s28+s20] =	stream.strided.scatter [tilespmem:s22], [sflag:$0x2], $0x6000, s21, s20, $0x38;
	[tilespmem:$0x1F400] =	vst v63  }
0xbd: {  	_ =	swait.ge [sflag:s19], $0x6000  }
0xbe: {  	[sflag:s19] =	ssyncset.done $0x0  }
0xbf: {  	s31 =	sadd.s32 s25, s10;
	[sflag:s19] =	ssyncadd.s32 $0xFFFFA000  }
0xc0: {  	[hbm4b:s31+s20] =	stream.strided.scatter [tilespmem:s15], [sflag:$0x2], $0x6000, s21, s20, $0x38;
	[tilespmem:$0x1F400] =	vst v63  }
0xc1: {  	_ =	swait.ge [sflag:s19], $0x6000  }
0xc2: {  	[sflag:s19] =	ssyncset.done $0x0  }
0xc3: {  	s29 =	sadd.s32 s25, s13;
	[sflag:s19] =	ssyncadd.s32 $0xFFFFA000  }
0xc4: {  	[hbm4b:s29+s20] =	stream.strided.scatter [tilespmem:s16], [sflag:$0x2], $0x6000, s21, s20, $0x38;
	[tilespmem:$0x1F400] =	vst v63  }
0xc5: {  	_ =	swait.ge [sflag:s19], $0x6000  }
0xc6: {  	[sflag:s19] =	ssyncset.done $0x0  }
0xc7: {  	s30 =	sadd.s32 s25, s12;
	p0 =	sne.s32 s25, $0x4EC00;
	[sflag:s19] =	ssyncadd.s32 $0xFFFFA000  }
0xc8: {  	[hbm4b:s30+s20] =	stream.strided.scatter [tilespmem:s17], [sflag:$0x2], $0x6000, s21, s20, $0x38;
	[tilespmem:$0x1F400] =	vst v63  }
.Ltmp2:
0xc9: {  	_ = 	snop;
	(pc) =	sbr.rel @p0 .LBB2_6-.Ltmp2, $4  }
0xca: {  	_ =	swait.ge [sflag:s19], $0x6000  }
0xcb: {  	s26 =	sadd.s32 $0x280, s26;
	[sflag:s19] =	ssyncset.done $0x0  }
0xcc: {  	s31 =	sadd.s32 s25, s11;
	s25 =	sadd.s32 $0xB400, s25;
	[sflag:s19] =	ssyncadd.s32 $0xFFFFA000  }
0xcd: {  	[hbm4b:s31+s20] =	stream.strided.scatter [tilespmem:s18], [sflag:$0x2], $0x6000, s21, s20, $0x38;
	[tilespmem:$0x1F400] =	vst v63  }
0xce: {  	_ =	swait.ge [sflag:s23], $0x6000  }
0xcf: {  	[sflag:s23] =	ssyncset.done $0x0  }
0xd0: {  	[sflag:s23] =	ssyncadd.s32 $0xFFFFA000  }
0xd1: {  	_ =	swait.ge [sflag:s23], $0x6000  }
0xd2: {  	[sflag:s23] =	ssyncset.done $0x0  }
0xd3: {  	[sflag:s23] =	ssyncadd.s32 $0xFFFFA000  }
0xd4: {  	_ =	swait.ge [sflag:s23], $0x6000  }
0xd5: {  	[sflag:s23] =	ssyncset.done $0x0  }
0xd6: {  	s24 =	sadd.s32 $0x1, s24;
	[sflag:s23] =	ssyncadd.s32 $0xFFFFA000  }
0xd7: {  	p0 =	sne.s32 s24, s7;
	_ =	swait.ge [sflag:s23], $0x6000  }
.Ltmp3:
0xd8: {  	[sflag:s23] =	ssyncset.done $0x0;
	(pc) =	sbr.rel @p0 .LBB2_1-.Ltmp3, $4  }
0xd9: {  	[sflag:s23] =	ssyncadd.s32 $0xFFFFA000  }
0xda: {  	_ =	swait.ge [sflag:s23], $0x6000  }
0xdb: {  	[sflag:s23] =	ssyncset.done $0x0  }
0xdc: {  	[sflag:s23] =	ssyncadd.s32 $0xFFFFA000  }
0xdd: {  	_ =	sfence.sel $0x180000  }
0xde: {  	[bflag:$0x0] =	sbarrier.arrive $0xFFFF  }
0xdf: {  	p0 =	sne.s32 s0, $0x0;
	_ =	strace $0x90000047  }
0xe0: {  	s0 =	sadd.s32 @!p0 $0x100000, s3;
	[bflag:$0x2] =	sbarrier.arrive $0xFFFF  }
0xe1: {  	[sflag:s0] =	ssyncadd.tile.s32 @!p0 $0x1;
	_ =	shalt  }
.Lfunc_end2:
_tile_overlayer_lowered:
.L_overlay_start_2:
0xe2: {  	(tag) =	ssettag $0x2  }
0xe3: {  	s0 =	rddreg [dreg:$0x0];
	s2 =	stileid.u32  }
0xe4: {  	s1 =	rddreg [dreg:$0x1];
	p0 =	sne.s32 s2, $0x0  }
0xe5: {  	s3 =	rddreg [dreg:$0x2];
	[bflag:$0x3] =	sbarrier.arrive $0xFFFF;
	s2 =	simm.s32 @!p0 $0x1C03  }
0xe6: {  	[timem:s3], [sflag:s2] =	dma.local @!p0 [hbm:s0], s1  }
0xe7: {  	s0 =	simm.s32 @!p0 $0x3  }
0xe8: {  	_ =	swait.ge @!p0 [sflag:s0], s1  }
0xe9: {  	s1 =	ssub.s32 @!p0 $0x0, s1;
	[sflag:s0] =	ssyncset.done @!p0 $0x0  }
0xea: {  	[sflag:s0] =	ssyncadd.s32 @!p0 s1  }
0xeb: {  	[bflag:$0x3] =	sbarrier.arrive $0xFFFF  }
0xec: {  	_ =	shalt  }

</sc_bundles>
